<compile_context>
chip_gen: v7x
topology: tpu7x:2x2x1
jax: 0.10.2.dev20260603
libtpu: 0.0.44.dev20260713+nightly
codegen_flags: <defaults>
</compile_context>

<pallas_src>
import functools

import jax
import jax.numpy as jnp
from jax import lax
from jax.experimental import pallas as pl
from jax.experimental.pallas import tpu as pltpu
from jax.experimental.pallas import tpu_sc as plsc

_B, _N, _D = 4, 1024, 320
_DL, _H, _K = 256, 256, 8
_R1 = 1024
_R3 = 1024
_NC, _NS = 2, 16
_NW = _NC * _NS
_GCHUNK = 128


def _dot_t(x, w):
    return lax.dot_general(x, w, (((1,), (1,)), ((), ())),
                           preferred_element_type=jnp.float32)


def _stage1_body(cenall_ref, of_ref, siz_ref, lang_ref,
                 w1a_ref, w1b_ref, wgc_ref, wgs_ref, w1l_ref, b1_ref,
                 idx_ref, gidxt_ref, a_ref, c_ref):
    b = pl.program_id(0)
    i = pl.program_id(1)
    cen = cenall_ref[0, pl.ds(i * _R1, _R1), :]
    cenT = jnp.transpose(cenall_ref[0], (1, 0))
    d = jnp.zeros((_R1, _N), jnp.float32)
    for c in range(3):
        diff = cen[:, c:c + 1] - cenT[c:c + 1, :]
        d = d + diff * diff
    d = d / 25.0
    rowg = i * _R1 + lax.broadcasted_iota(jnp.int32, (_R1, _N), 0)
    colid_i = lax.broadcasted_iota(jnp.int32, (_R1, _N), 1)
    d = jnp.where(rowg == colid_i, jnp.inf, d)
    colid = colid_i.astype(jnp.float32)
    sels = []
    for k in range(_K):
        m = jnp.min(d, axis=1, keepdims=True)
        sel = jnp.min(jnp.where(d == m, colid, jnp.float32(_N)),
                      axis=1, keepdims=True)
        sels.append(sel)
        d = jnp.where(colid == sel, jnp.inf, d)
    idxf = jnp.concatenate(sels, axis=1)
    idx_ref[0] = idxf.astype(jnp.int32)
    gidxt_ref[...] = (jnp.transpose(idxf, (1, 0))
                      + jnp.float32(b * _N)).astype(jnp.int32)

    of = of_ref[0]
    g = (_dot_t(cen, wgc_ref[...]) * (1.0 / (5.0 + 1e-06))
         + _dot_t(siz_ref[0], wgs_ref[...]) * 0.5)
    langp = _dot_t(lang_ref[0], w1l_ref[...])
    a_ref[0] = _dot_t(of, w1a_ref[...]) + langp + b1_ref[...] + g
    cvals = _dot_t(of, w1b_ref[...]) - g
    u = lax.bitcast_convert_type(cvals, jnp.uint32)
    rb = (u + jnp.uint32(0x7FFF) + ((u >> 16) & jnp.uint32(1))) >> 16
    c_ref[0] = (rb[:, :_H // 2] | (rb[:, _H // 2:] << 16)).astype(jnp.uint32)


def _stage1(cen, of, siz, lang, w1a, w1b, wgc, wgs, w1l, b1):
    grid = (_B, _N // _R1)
    return pl.pallas_call(
        _stage1_body,
        grid=grid,
        in_specs=[
            pl.BlockSpec((1, _N, 3), lambda b, i: (b, 0, 0)),
            pl.BlockSpec((1, _R1, _D), lambda b, i: (b, i, 0)),
            pl.BlockSpec((1, _R1, 3), lambda b, i: (b, i, 0)),
            pl.BlockSpec((1, 1, _DL), lambda b, i: (b, 0, 0)),
            pl.BlockSpec((_H, _D), lambda b, i: (0, 0)),
            pl.BlockSpec((_H, _D), lambda b, i: (0, 0)),
            pl.BlockSpec((_H, 3), lambda b, i: (0, 0)),
            pl.BlockSpec((_H, 3), lambda b, i: (0, 0)),
            pl.BlockSpec((_H, _DL), lambda b, i: (0, 0)),
            pl.BlockSpec((1, _H), lambda b, i: (0, 0)),
        ],
        out_specs=[
            pl.BlockSpec((1, _R1, _K), lambda b, i: (b, i, 0)),
            pl.BlockSpec((_K, _R1), lambda b, i: (0, b * (_N // _R1) + i)),
            pl.BlockSpec((1, _R1, _H), lambda b, i: (b, i, 0)),
            pl.BlockSpec((1, _R1, _H // 2), lambda b, i: (b, i, 0)),
        ],
        out_shape=[
            jax.ShapeDtypeStruct((_B, _N, _K), jnp.int32),
            jax.ShapeDtypeStruct((_K, _B * _N), jnp.int32),
            jax.ShapeDtypeStruct((_B, _N, _H), jnp.float32),
            jax.ShapeDtypeStruct((_B, _N, _H // 2), jnp.uint32),
        ],
    )(cen, of, siz, lang, w1a, w1b, wgc, wgs, w1l, b1)


def _sc_gather(gidxt, c_all):
    n_idx = _B * _N * _K
    per_w = n_idx // _NW
    n_chunks = per_w // _GCHUNK

    mesh = plsc.VectorSubcoreMesh(core_axis_name="c", subcore_axis_name="s")

    @functools.partial(
        pl.kernel,
        mesh=mesh,
        out_type=jax.ShapeDtypeStruct((n_idx, _H // 2), jnp.uint32),
        scratch_types=[
            pltpu.VMEM((per_w,), jnp.int32),
            pltpu.VMEM((2, _GCHUNK, _H // 2), jnp.uint32),
            pltpu.SemaphoreType.DMA,
        ],
    )
    def k(gidx_hbm, c_hbm, out_hbm, idx_v, rows_v, gsem):
        wid = lax.axis_index("s") * _NC + lax.axis_index("c")
        base0 = wid * per_w
        pltpu.sync_copy(
            gidx_hbm.at[wid // _B, pl.ds((wid % _B) * per_w, per_w)], idx_v)
        cps = [None, None]
        cps[0] = pltpu.async_copy(
            c_hbm.at[idx_v.at[pl.ds(0, _GCHUNK)]], rows_v.at[0], gsem)
        for t in range(n_chunks):
            s = t % 2
            if t + 1 < n_chunks:
                cps[1 - s] = pltpu.async_copy(
                    c_hbm.at[idx_v.at[pl.ds((t + 1) * _GCHUNK, _GCHUNK)]],
                    rows_v.at[1 - s], gsem)
            cps[s].wait()
            pltpu.sync_copy(
                rows_v.at[s], out_hbm.at[pl.ds(base0 + t * _GCHUNK, _GCHUNK)])

    return k(gidxt, c_all)


def _stage3_body(a_ref, cg_ref, idx_ref, offull_ref, w2_ref, b2_ref,
                 out_ref, w_ref):
    i = pl.program_id(1)
    a = a_ref[0]
    cols = []
    for k in range(_K):
        pk = cg_ref[k]
        lo = lax.bitcast_convert_type(pk << 16, jnp.float32)
        hi = lax.bitcast_convert_type(pk & jnp.uint32(0xFFFF0000), jnp.float32)
        cgk = jnp.concatenate([lo, hi], axis=1)
        h = jnp.maximum(a + cgk, 0.0)
        cols.append(_dot_t(h, w2_ref[...]))
    scores = jnp.concatenate(cols, axis=1) + b2_ref[...]
    m = jnp.max(scores, axis=1, keepdims=True)
    e = jnp.exp(scores - m)
    w = e / jnp.sum(e, axis=1, keepdims=True)
    idx = idx_ref[0]
    colid = lax.broadcasted_iota(jnp.int32, (_R3, _N), 1)
    wmat = jnp.zeros((_R3, _N), jnp.float32)
    for k in range(_K):
        wmat = jnp.where(colid == idx[:, k:k + 1], w[:, k:k + 1], wmat)
    ctx = jnp.dot(wmat, offull_ref[0], preferred_element_type=jnp.float32)
    out_ref[0] = offull_ref[0, pl.ds(i * _R3, _R3), :] + ctx
    w_ref[0] = w


def _stage3(a_all, cg3, idx, of, w2, b2):
    grid = (_B, _N // _R3)
    nb = _B * _N // _R3
    return pl.pallas_call(
        _stage3_body,
        grid=grid,
        in_specs=[
            pl.BlockSpec((1, _R3, _H), lambda b, i: (b, i, 0)),
            pl.BlockSpec((_K, _R3, _H // 2),
                         lambda b, i: (0, b * (_N // _R3) + i, 0)),
            pl.BlockSpec((1, _R3, _K), lambda b, i: (b, i, 0)),
            pl.BlockSpec((1, _N, _D), lambda b, i: (b, 0, 0)),
            pl.BlockSpec((1, _H), lambda b, i: (0, 0)),
            pl.BlockSpec((1, _K), lambda b, i: (0, 0)),
        ],
        out_specs=[
            pl.BlockSpec((1, _R3, _D), lambda b, i: (b, i, 0)),
            pl.BlockSpec((1, _R3, _K), lambda b, i: (b, i, 0)),
        ],
        out_shape=[
            jax.ShapeDtypeStruct((_B, _N, _D), jnp.float32),
            jax.ShapeDtypeStruct((_B, _N, _K), jnp.float32),
        ],
    )(a_all, cg3, idx, of, w2, b2)


def kernel(object_features, language_embedding, centers, sizes, W1, b1, W2, b2):
    w1a = W1[:, :_D]
    w1b = W1[:, _D:2 * _D]
    wgc = W1[:, 2 * _D:2 * _D + 3]
    wgs = W1[:, 2 * _D + 3:2 * _D + 6]
    w1l = W1[:, 2 * _D + 6:]
    b1r = b1.reshape(1, _H)
    b2r = jnp.broadcast_to(b2.reshape(1, 1), (1, _K))

    idx, gidxt, a_all, c_all = _stage1(
        centers, object_features, sizes,
        language_embedding.reshape(_B, 1, _DL),
        w1a, w1b, wgc, wgs, w1l, b1r)

    cg = _sc_gather(gidxt, c_all.reshape(_B * _N, _H // 2))

    out, w = _stage3(
        a_all, cg.reshape(_K, _B * _N, _H // 2), idx, object_features, W2, b2r)

    return (out, w, idx)

# --- scband reference (transcript-rebuilt; emitter-appended) ---
"""Pipeline reference for scband-sparse-pairwise-relation-module-50251117363747 (READ-ONLY COPY).

The authoritative reference and input builder live on the scoring server;
editing this copy changes nothing except your own understanding.
"""

import jax, jax.numpy as jnp
import numpy as np

B, N, D = 4, 1024, 320
D_LANG = 256
HIDDEN = 256
TOPK = 8
GEOM = 6
PAIR_IN = 2 * D + GEOM + D_LANG
SCENE_DIAM = 5.0


def setup_inputs(seed: int = 0) -> dict:
    key = jax.random.key(seed)
    k1, k2, k3, k4, k5, k6 = jax.random.split(key, 6)
    return {
        "object_features": jax.random.normal(k1, (B, N, D), jnp.float32),
        "language_embedding": jax.random.normal(k2, (B, D_LANG), jnp.float32),
        "centers": jax.random.uniform(k3, (B, N, 3), jnp.float32) * 5.0,
        "sizes": jax.random.uniform(k4, (B, N, 3), jnp.float32),
        "W1": jax.random.normal(k5, (HIDDEN, PAIR_IN), jnp.float32) * 0.02,
        "b1": jnp.zeros((HIDDEN,), jnp.float32),
        "W2": jax.random.normal(k6, (1, HIDDEN), jnp.float32) * 0.02,
        "b2": jnp.zeros((1,), jnp.float32),
    }


def _gather_neighbors(t, idx):
    # t: [B, N, ...], idx: [B, N, k] -> [B, N, k, ...]
    b = jnp.arange(t.shape[0])[:, None, None]
    return t[b, idx]


def reference(object_features, language_embedding, centers, sizes, W1, b1, W2, b2):
    B_, N_, D_ = object_features.shape
    k = min(TOPK, N_ - 1)
    # pairwise squared distances, normalized by scene diameter^2
    diff = centers[:, :, None, :] - centers[:, None, :, :]
    distances = (diff ** 2).sum(axis=-1) / (SCENE_DIAM ** 2)
    # mask self-pairs on the diagonal
    eye = jnp.eye(N_, dtype=bool)[None]
    distances = jnp.where(eye, jnp.inf, distances)
    # top-k smallest distances -> top-k of negated distances
    neg_d, neighbor_indices = jax.lax.top_k(-distances, k)
    neighbor_features = _gather_neighbors(object_features, neighbor_indices)
    neighbor_centers = _gather_neighbors(centers, neighbor_indices)
    neighbor_sizes = _gather_neighbors(sizes, neighbor_indices)
    rel_position = (centers[:, :, None, :] - neighbor_centers) / (SCENE_DIAM + 1e-06)
    rel_size = (sizes[:, :, None, :] - neighbor_sizes) / 2.0
    rel_geometry = jnp.concatenate([rel_position, rel_size], axis=-1)
    feat_i = jnp.broadcast_to(object_features[:, :, None, :], (B_, N_, k, D_))
    lang = jnp.broadcast_to(language_embedding[:, None, None, :], (B_, N_, k, language_embedding.shape[-1]))
    pair_input = jnp.concatenate([feat_i, neighbor_features, rel_geometry, lang], axis=-1)
    # relation MLP (dropout is identity in eval mode)
    h = jax.nn.relu(pair_input @ W1.T + b1)
    relation_scores = (h @ W2.T + b2)[..., 0]
    relation_scores = relation_scores / 1.0  # temperature
    relation_weights = jax.nn.softmax(relation_scores, axis=2)
    relation_context = jnp.einsum('bnk,bnkd->bnd', relation_weights, neighbor_features)
    enhanced_features = object_features + relation_context
    return (enhanced_features, relation_weights, neighbor_indices)

if __name__ == "__main__":
    import jax
    _d = setup_inputs()
    print(jax.jit(kernel)(*tuple(_d.values())))

</pallas_src>

<mosaic_0001>
#map = affine_map<(d0, d1) -> (0, 0)>
module attributes {stable_mosaic.version = 14 : i64} {
  func.func @k(%arg0: i32, %arg1: i32, %arg2: memref<8x4096xi32, #tpu.memory_space<hbm>>, %arg3: memref<4096x128xi32, #tpu.memory_space<hbm>>, %arg4: memref<32768x128xi32, #tpu.memory_space<hbm>>, %arg5: memref<1024xi32, #tpu.memory_space<vmem>>, %arg6: memref<2x128x128xi32, #tpu.memory_space<vmem>>, %arg7: memref<!tpu.dma_semaphore, #tpu.memory_space<semaphore_mem>>) attributes {dimension_semantics = [#tpu.dimension_semantics<core_parallel>, #tpu.dimension_semantics<subcore_parallel>], iteration_bounds = array<i64: 2, 16>, scalar_prefetch = 0 : i64, scratch_operands = 3 : i64, tpu.core_type = #tpu.core_type<sc_vector_subcore>, window_params = [{transform_indices = #map}, {transform_indices = #map}, {transform_indices = #map}]} {
    %mul3A = arith.constant 2 : i32
    %mul3A_0 = arith.muli %arg1, %mul3A : i32
    %add3A = arith.addi %mul3A_0, %arg0 : i32
    %mul3A_1 = arith.constant 1024 : i32
    %mul3A_2 = arith.muli %add3A, %mul3A_1 : i32
    %jit3A = arith.constant 4 : i32
    %div3A = arith.divsi %add3A, %jit3A : i32
    %sign3A = arith.constant 0 : i32
    %sign3A_3 = arith.cmpi sgt, %add3A, %sign3A : i32
    %sign3A_4 = arith.extui %sign3A_3 : i1 to i32
    %sign3A_5 = arith.constant 0 : i32
    %sign3A_6 = arith.cmpi slt, %add3A, %sign3A_5 : i32
    %sign3A_7 = arith.extui %sign3A_6 : i1 to i32
    %sign3A_8 = arith.subi %sign3A_4, %sign3A_7 : i32
    %sign3A_9 = arith.constant 0 : i32
    %sign3A_10 = arith.cmpi sgt, %jit3A, %sign3A_9 : i32
    %sign3A_11 = arith.extui %sign3A_10 : i1 to i32
    %sign3A_12 = arith.constant 0 : i32
    %sign3A_13 = arith.cmpi slt, %jit3A, %sign3A_12 : i32
    %sign3A_14 = arith.extui %sign3A_13 : i1 to i32
    %sign3A_15 = arith.subi %sign3A_11, %sign3A_14 : i32
    %ne3A = arith.cmpi ne, %sign3A_8, %sign3A_15 : i32
    %rem3A = arith.remsi %add3A, %jit3A : i32
    %ne3A_16 = arith.constant 0 : i32
    %ne3A_17 = arith.cmpi ne, %rem3A, %ne3A_16 : i32
    %and3A = arith.andi %ne3A, %ne3A_17 : i1
    %sub3A = arith.constant 1 : i32
    %sub3A_18 = arith.subi %div3A, %sub3A : i32
    %select_n3A = arith.select %and3A, %sub3A_18, %div3A : i32
    %jit3A_19 = arith.constant 4 : i32
    %eq3A = arith.constant 0 : i32
    %eq3A_20 = arith.cmpi eq, %jit3A_19, %eq3A : i32
    %jit3A_21 = arith.constant 1 : i32
    %select_n3A_22 = arith.select %eq3A_20, %jit3A_21, %jit3A_19 : i32
    %rem3A_23 = arith.remsi %add3A, %select_n3A_22 : i32
    %ne3A_24 = arith.constant 0 : i32
    %ne3A_25 = arith.cmpi ne, %rem3A_23, %ne3A_24 : i32
    %lt3A = arith.constant 0 : i32
    %lt3A_26 = arith.cmpi slt, %rem3A_23, %lt3A : i32
    %lt3A_27 = arith.constant 0 : i32
    %lt3A_28 = arith.cmpi slt, %select_n3A_22, %lt3A_27 : i32
    %ne3A_29 = arith.xori %lt3A_26, %lt3A_28 : i1
    %and3A_30 = arith.andi %ne3A_29, %ne3A_25 : i1
    %add3A_31 = arith.addi %rem3A_23, %select_n3A_22 : i32
    %select_n3A_32 = arith.select %and3A_30, %add3A_31, %rem3A_23 : i32
    %mul3A_33 = arith.constant 1024 : i32
    %mul3A_34 = arith.muli %select_n3A_32, %mul3A_33 : i32
    "tpu.region"() ({
      %run_scoped3A_216 = tpu.sem_alloc : memref<!tpu.dma_semaphore, #tpu.memory_space<semaphore_mem>>
      %dma_start3A_217 = tpu.memref_slice %arg2[%select_n3A, %mul3A_34] : memref<8x4096xi32, #tpu.memory_space<hbm>> -> memref<1x1024xi32, #tpu.memory_space<hbm>>
      %dma_start3A_218 = tpu.memref_squeeze %dma_start3A_217 : memref<1x1024xi32, #tpu.memory_space<hbm>> -> memref<1024xi32, #tpu.memory_space<hbm>>
      %dma_start3A_219 = tpu.memref_slice %arg2[%select_n3A, %mul3A_34] : memref<8x4096xi32, #tpu.memory_space<hbm>> -> memref<1x1024xi32, #tpu.memory_space<hbm>>
      %dma_start3A_220 = tpu.memref_squeeze %dma_start3A_219 : memref<1x1024xi32, #tpu.memory_space<hbm>> -> memref<1024xi32, #tpu.memory_space<hbm>>
      tpu.enqueue_dma source(%dma_start3A_220 : memref<1024xi32, #tpu.memory_space<hbm>>) target(%arg5 : memref<1024xi32, #tpu.memory_space<vmem>>) target_semaphore(%run_scoped3A_216 : memref<!tpu.dma_semaphore, #tpu.memory_space<semaphore_mem>>)
      %dma_wait3A_221 = tpu.memref_slice %arg2[%select_n3A, %mul3A_34] : memref<8x4096xi32, #tpu.memory_space<hbm>> -> memref<1x1024xi32, #tpu.memory_space<hbm>>
      %dma_wait3A_222 = tpu.memref_squeeze %dma_wait3A_221 : memref<1x1024xi32, #tpu.memory_space<hbm>> -> memref<1024xi32, #tpu.memory_space<hbm>>
      %dma_wait3A_223 = tpu.memref_slice %arg2[%select_n3A, %mul3A_34] : memref<8x4096xi32, #tpu.memory_space<hbm>> -> memref<1x1024xi32, #tpu.memory_space<hbm>>
      %dma_wait3A_224 = tpu.memref_squeeze %dma_wait3A_223 : memref<1x1024xi32, #tpu.memory_space<hbm>> -> memref<1024xi32, #tpu.memory_space<hbm>>
      tpu.wait_dma2 semaphore(%run_scoped3A_216 : memref<!tpu.dma_semaphore, #tpu.memory_space<semaphore_mem>>) src(%dma_wait3A_224 : memref<1024xi32, #tpu.memory_space<hbm>>) dst(%arg5 : memref<1024xi32, #tpu.memory_space<vmem>>)
      tpu.yield
    }) : () -> ()
    %dma_start3A = arith.constant 0 : i32
    %dma_start3A_35 = arith.constant 0 : i32
    %dma_start3A_36 = arith.constant 0 : i32
    %dma_start3A_37 = tpu.memref_slice %arg6[%dma_start3A, %dma_start3A_35, %dma_start3A_36] : memref<2x128x128xi32, #tpu.memory_space<vmem>> -> memref<1x128x128xi32, #tpu.memory_space<vmem>>
    %dma_start3A_38 = tpu.memref_squeeze %dma_start3A_37 : memref<1x128x128xi32, #tpu.memory_space<vmem>> -> memref<128x128xi32, #tpu.memory_space<vmem>>
    %dma_start3A_39 = arith.constant 0 : i32
    %dma_start3A_40 = tpu.memref_slice %arg5[%dma_start3A_39] : memref<1024xi32, #tpu.memory_space<vmem>> -> memref<128xi32, #tpu.memory_space<vmem>>
    %dma_start3A_41 = arith.constant 0 : i32
    %dma_start3A_42 = arith.constant 0 : i32
    %dma_start3A_43 = tpu.memref_slice %arg3[%dma_start3A_41, %dma_start3A_42] : memref<4096x128xi32, #tpu.memory_space<hbm>> -> memref<4096x128xi32, #tpu.memory_space<hbm>>
    tpu.enqueue_indirect_dma source(%dma_start3A_43 : memref<4096x128xi32, #tpu.memory_space<hbm>>) target(%dma_start3A_38 : memref<128x128xi32, #tpu.memory_space<vmem>>) offsets(%dma_start3A_40 : memref<128xi32, #tpu.memory_space<vmem>>) semaphore(%arg7 : memref<!tpu.dma_semaphore, #tpu.memory_space<semaphore_mem>>)
    %dma_start3A_44 = arith.constant 1 : i32
    %dma_start3A_45 = arith.constant 0 : i32
    %dma_start3A_46 = arith.constant 0 : i32
    %dma_start3A_47 = tpu.memref_slice %arg6[%dma_start3A_44, %dma_start3A_45, %dma_start3A_46] : memref<2x128x128xi32, #tpu.memory_space<vmem>> -> memref<1x128x128xi32, #tpu.memory_space<vmem>>
    %dma_start3A_48 = tpu.memref_squeeze %dma_start3A_47 : memref<1x128x128xi32, #tpu.memory_space<vmem>> -> memref<128x128xi32, #tpu.memory_space<vmem>>
    %dma_start3A_49 = arith.constant 128 : i32
    %dma_start3A_50 = tpu.memref_slice %arg5[%dma_start3A_49] : memref<1024xi32, #tpu.memory_space<vmem>> -> memref<128xi32, #tpu.memory_space<vmem>>
    %dma_start3A_51 = arith.constant 0 : i32
    %dma_start3A_52 = arith.constant 0 : i32
    %dma_start3A_53 = tpu.memref_slice %arg3[%dma_start3A_51, %dma_start3A_52] : memref<4096x128xi32, #tpu.memory_space<hbm>> -> memref<4096x128xi32, #tpu.memory_space<hbm>>
    tpu.enqueue_indirect_dma source(%dma_start3A_53 : memref<4096x128xi32, #tpu.memory_space<hbm>>) target(%dma_start3A_48 : memref<128x128xi32, #tpu.memory_space<vmem>>) offsets(%dma_start3A_50 : memref<128xi32, #tpu.memory_space<vmem>>) semaphore(%arg7 : memref<!tpu.dma_semaphore, #tpu.memory_space<semaphore_mem>>)
    %dma_wait3A = arith.constant 0 : i32
    %dma_wait3A_54 = arith.constant 0 : i32
    %dma_wait3A_55 = arith.constant 0 : i32
    %dma_wait3A_56 = tpu.memref_slice %arg6[%dma_wait3A, %dma_wait3A_54, %dma_wait3A_55] : memref<2x128x128xi32, #tpu.memory_space<vmem>> -> memref<1x128x128xi32, #tpu.memory_space<vmem>>
    %dma_wait3A_57 = tpu.memref_squeeze %dma_wait3A_56 : memref<1x128x128xi32, #tpu.memory_space<vmem>> -> memref<128x128xi32, #tpu.memory_space<vmem>>
    %dma_wait3A_58 = arith.constant 0 : i32
    %dma_wait3A_59 = tpu.memref_slice %arg5[%dma_wait3A_58] : memref<1024xi32, #tpu.memory_space<vmem>> -> memref<128xi32, #tpu.memory_space<vmem>>
    %dma_wait3A_60 = arith.constant 0 : i32
    %dma_wait3A_61 = arith.constant 0 : i32
    %dma_wait3A_62 = tpu.memref_slice %arg3[%dma_wait3A_60, %dma_wait3A_61] : memref<4096x128xi32, #tpu.memory_space<hbm>> -> memref<4096x128xi32, #tpu.memory_space<hbm>>
    tpu.wait_indirect_dma semaphore(%arg7 : memref<!tpu.dma_semaphore, #tpu.memory_space<semaphore_mem>>) src(%dma_wait3A_62 : memref<4096x128xi32, #tpu.memory_space<hbm>>) dst(%dma_wait3A_57 : memref<128x128xi32, #tpu.memory_space<vmem>>)
    %add3A_63 = arith.constant 0 : i32
    %add3A_64 = arith.addi %mul3A_2, %add3A_63 : i32
    %run_scoped3A = arith.constant 0 : i32
    "tpu.region"() ({
      %run_scoped3A_216 = tpu.sem_alloc : memref<!tpu.dma_semaphore, #tpu.memory_space<semaphore_mem>>
      %dma_start3A_217 = arith.constant 0 : i32
      %dma_start3A_218 = arith.constant 0 : i32
      %dma_start3A_219 = tpu.memref_slice %arg6[%run_scoped3A, %dma_start3A_217, %dma_start3A_218] : memref<2x128x128xi32, #tpu.memory_space<vmem>> -> memref<1x128x128xi32, #tpu.memory_space<vmem>>
      %dma_start3A_220 = tpu.memref_squeeze %dma_start3A_219 : memref<1x128x128xi32, #tpu.memory_space<vmem>> -> memref<128x128xi32, #tpu.memory_space<vmem>>
      %dma_start3A_221 = arith.constant 0 : i32
      %dma_start3A_222 = tpu.memref_slice %arg4[%add3A_64, %dma_start3A_221] : memref<32768x128xi32, #tpu.memory_space<hbm>> -> memref<128x128xi32, #tpu.memory_space<hbm>>
      %dma_start3A_223 = arith.constant 0 : i32
      %dma_start3A_224 = tpu.memref_slice %arg4[%add3A_64, %dma_start3A_223] : memref<32768x128xi32, #tpu.memory_space<hbm>> -> memref<128x128xi32, #tpu.memory_space<hbm>>
      %dma_start3A_225 = arith.constant 0 : i32
      %dma_start3A_226 = arith.constant 0 : i32
      %dma_start3A_227 = tpu.memref_slice %arg6[%run_scoped3A, %dma_start3A_225, %dma_start3A_226] : memref<2x128x128xi32, #tpu.memory_space<vmem>> -> memref<1x128x128xi32, #tpu.memory_space<vmem>>
      %dma_start3A_228 = tpu.memref_squeeze %dma_start3A_227 : memref<1x128x128xi32, #tpu.memory_space<vmem>> -> memref<128x128xi32, #tpu.memory_space<vmem>>
      tpu.enqueue_dma source(%dma_start3A_228 : memref<128x128xi32, #tpu.memory_space<vmem>>) target(%dma_start3A_224 : memref<128x128xi32, #tpu.memory_space<hbm>>) target_semaphore(%run_scoped3A_216 : memref<!tpu.dma_semaphore, #tpu.memory_space<semaphore_mem>>)
      %dma_wait3A_229 = arith.constant 0 : i32
      %dma_wait3A_230 = arith.constant 0 : i32
      %dma_wait3A_231 = tpu.memref_slice %arg6[%run_scoped3A, %dma_wait3A_229, %dma_wait3A_230] : memref<2x128x128xi32, #tpu.memory_space<vmem>> -> memref<1x128x128xi32, #tpu.memory_space<vmem>>
      %dma_wait3A_232 = tpu.memref_squeeze %dma_wait3A_231 : memref<1x128x128xi32, #tpu.memory_space<vmem>> -> memref<128x128xi32, #tpu.memory_space<vmem>>
      %dma_wait3A_233 = arith.constant 0 : i32
      %dma_wait3A_234 = tpu.memref_slice %arg4[%add3A_64, %dma_wait3A_233] : memref<32768x128xi32, #tpu.memory_space<hbm>> -> memref<128x128xi32, #tpu.memory_space<hbm>>
      %dma_wait3A_235 = arith.constant 0 : i32
      %dma_wait3A_236 = tpu.memref_slice %arg4[%add3A_64, %dma_wait3A_235] : memref<32768x128xi32, #tpu.memory_space<hbm>> -> memref<128x128xi32, #tpu.memory_space<hbm>>
      %dma_wait3A_237 = arith.constant 0 : i32
      %dma_wait3A_238 = arith.constant 0 : i32
      %dma_wait3A_239 = tpu.memref_slice %arg6[%run_scoped3A, %dma_wait3A_237, %dma_wait3A_238] : memref<2x128x128xi32, #tpu.memory_space<vmem>> -> memref<1x128x128xi32, #tpu.memory_space<vmem>>
      %dma_wait3A_240 = tpu.memref_squeeze %dma_wait3A_239 : memref<1x128x128xi32, #tpu.memory_space<vmem>> -> memref<128x128xi32, #tpu.memory_space<vmem>>
      tpu.wait_dma2 semaphore(%run_scoped3A_216 : memref<!tpu.dma_semaphore, #tpu.memory_space<semaphore_mem>>) src(%dma_wait3A_240 : memref<128x128xi32, #tpu.memory_space<vmem>>) dst(%dma_wait3A_236 : memref<128x128xi32, #tpu.memory_space<hbm>>)
      tpu.yield
    }) : () -> ()
    %dma_start3A_65 = arith.constant 0 : i32
    %dma_start3A_66 = arith.constant 0 : i32
    %dma_start3A_67 = arith.constant 0 : i32
    %dma_start3A_68 = tpu.memref_slice %arg6[%dma_start3A_65, %dma_start3A_66, %dma_start3A_67] : memref<2x128x128xi32, #tpu.memory_space<vmem>> -> memref<1x128x128xi32, #tpu.memory_space<vmem>>
    %dma_start3A_69 = tpu.memref_squeeze %dma_start3A_68 : memref<1x128x128xi32, #tpu.memory_space<vmem>> -> memref<128x128xi32, #tpu.memory_space<vmem>>
    %dma_start3A_70 = arith.constant 256 : i32
    %dma_start3A_71 = tpu.memref_slice %arg5[%dma_start3A_70] : memref<1024xi32, #tpu.memory_space<vmem>> -> memref<128xi32, #tpu.memory_space<vmem>>
    %dma_start3A_72 = arith.constant 0 : i32
    %dma_start3A_73 = arith.constant 0 : i32
    %dma_start3A_74 = tpu.memref_slice %arg3[%dma_start3A_72, %dma_start3A_73] : memref<4096x128xi32, #tpu.memory_space<hbm>> -> memref<4096x128xi32, #tpu.memory_space<hbm>>
    tpu.enqueue_indirect_dma source(%dma_start3A_74 : memref<4096x128xi32, #tpu.memory_space<hbm>>) target(%dma_start3A_69 : memref<128x128xi32, #tpu.memory_space<vmem>>) offsets(%dma_start3A_71 : memref<128xi32, #tpu.memory_space<vmem>>) semaphore(%arg7 : memref<!tpu.dma_semaphore, #tpu.memory_space<semaphore_mem>>)
    %dma_wait3A_75 = arith.constant 1 : i32
    %dma_wait3A_76 = arith.constant 0 : i32
    %dma_wait3A_77 = arith.constant 0 : i32
    %dma_wait3A_78 = tpu.memref_slice %arg6[%dma_wait3A_75, %dma_wait3A_76, %dma_wait3A_77] : memref<2x128x128xi32, #tpu.memory_space<vmem>> -> memref<1x128x128xi32, #tpu.memory_space<vmem>>
    %dma_wait3A_79 = tpu.memref_squeeze %dma_wait3A_78 : memref<1x128x128xi32, #tpu.memory_space<vmem>> -> memref<128x128xi32, #tpu.memory_space<vmem>>
    %dma_wait3A_80 = arith.constant 128 : i32
    %dma_wait3A_81 = tpu.memref_slice %arg5[%dma_wait3A_80] : memref<1024xi32, #tpu.memory_space<vmem>> -> memref<128xi32, #tpu.memory_space<vmem>>
    %dma_wait3A_82 = arith.constant 0 : i32
    %dma_wait3A_83 = arith.constant 0 : i32
    %dma_wait3A_84 = tpu.memref_slice %arg3[%dma_wait3A_82, %dma_wait3A_83] : memref<4096x128xi32, #tpu.memory_space<hbm>> -> memref<4096x128xi32, #tpu.memory_space<hbm>>
    tpu.wait_indirect_dma semaphore(%arg7 : memref<!tpu.dma_semaphore, #tpu.memory_space<semaphore_mem>>) src(%dma_wait3A_84 : memref<4096x128xi32, #tpu.memory_space<hbm>>) dst(%dma_wait3A_79 : memref<128x128xi32, #tpu.memory_space<vmem>>)
    %add3A_85 = arith.constant 128 : i32
    %add3A_86 = arith.addi %mul3A_2, %add3A_85 : i32
    %run_scoped3A_87 = arith.constant 1 : i32
    "tpu.region"() ({
      %run_scoped3A_216 = tpu.sem_alloc : memref<!tpu.dma_semaphore, #tpu.memory_space<semaphore_mem>>
      %dma_start3A_217 = arith.constant 0 : i32
      %dma_start3A_218 = arith.constant 0 : i32
      %dma_start3A_219 = tpu.memref_slice %arg6[%run_scoped3A_87, %dma_start3A_217, %dma_start3A_218] : memref<2x128x128xi32, #tpu.memory_space<vmem>> -> memref<1x128x128xi32, #tpu.memory_space<vmem>>
      %dma_start3A_220 = tpu.memref_squeeze %dma_start3A_219 : memref<1x128x128xi32, #tpu.memory_space<vmem>> -> memref<128x128xi32, #tpu.memory_space<vmem>>
      %dma_start3A_221 = arith.constant 0 : i32
      %dma_start3A_222 = tpu.memref_slice %arg4[%add3A_86, %dma_start3A_221] : memref<32768x128xi32, #tpu.memory_space<hbm>> -> memref<128x128xi32, #tpu.memory_space<hbm>>
      %dma_start3A_223 = arith.constant 0 : i32
      %dma_start3A_224 = tpu.memref_slice %arg4[%add3A_86, %dma_start3A_223] : memref<32768x128xi32, #tpu.memory_space<hbm>> -> memref<128x128xi32, #tpu.memory_space<hbm>>
      %dma_start3A_225 = arith.constant 0 : i32
      %dma_start3A_226 = arith.constant 0 : i32
      %dma_start3A_227 = tpu.memref_slice %arg6[%run_scoped3A_87, %dma_start3A_225, %dma_start3A_226] : memref<2x128x128xi32, #tpu.memory_space<vmem>> -> memref<1x128x128xi32, #tpu.memory_space<vmem>>
      %dma_start3A_228 = tpu.memref_squeeze %dma_start3A_227 : memref<1x128x128xi32, #tpu.memory_space<vmem>> -> memref<128x128xi32, #tpu.memory_space<vmem>>
      tpu.enqueue_dma source(%dma_start3A_228 : memref<128x128xi32, #tpu.memory_space<vmem>>) target(%dma_start3A_224 : memref<128x128xi32, #tpu.memory_space<hbm>>) target_semaphore(%run_scoped3A_216 : memref<!tpu.dma_semaphore, #tpu.memory_space<semaphore_mem>>)
      %dma_wait3A_229 = arith.constant 0 : i32
      %dma_wait3A_230 = arith.constant 0 : i32
      %dma_wait3A_231 = tpu.memref_slice %arg6[%run_scoped3A_87, %dma_wait3A_229, %dma_wait3A_230] : memref<2x128x128xi32, #tpu.memory_space<vmem>> -> memref<1x128x128xi32, #tpu.memory_space<vmem>>
      %dma_wait3A_232 = tpu.memref_squeeze %dma_wait3A_231 : memref<1x128x128xi32, #tpu.memory_space<vmem>> -> memref<128x128xi32, #tpu.memory_space<vmem>>
      %dma_wait3A_233 = arith.constant 0 : i32
      %dma_wait3A_234 = tpu.memref_slice %arg4[%add3A_86, %dma_wait3A_233] : memref<32768x128xi32, #tpu.memory_space<hbm>> -> memref<128x128xi32, #tpu.memory_space<hbm>>
      %dma_wait3A_235 = arith.constant 0 : i32
      %dma_wait3A_236 = tpu.memref_slice %arg4[%add3A_86, %dma_wait3A_235] : memref<32768x128xi32, #tpu.memory_space<hbm>> -> memref<128x128xi32, #tpu.memory_space<hbm>>
      %dma_wait3A_237 = arith.constant 0 : i32
      %dma_wait3A_238 = arith.constant 0 : i32
      %dma_wait3A_239 = tpu.memref_slice %arg6[%run_scoped3A_87, %dma_wait3A_237, %dma_wait3A_238] : memref<2x128x128xi32, #tpu.memory_space<vmem>> -> memref<1x128x128xi32, #tpu.memory_space<vmem>>
      %dma_wait3A_240 = tpu.memref_squeeze %dma_wait3A_239 : memref<1x128x128xi32, #tpu.memory_space<vmem>> -> memref<128x128xi32, #tpu.memory_space<vmem>>
      tpu.wait_dma2 semaphore(%run_scoped3A_216 : memref<!tpu.dma_semaphore, #tpu.memory_space<semaphore_mem>>) src(%dma_wait3A_240 : memref<128x128xi32, #tpu.memory_space<vmem>>) dst(%dma_wait3A_236 : memref<128x128xi32, #tpu.memory_space<hbm>>)
      tpu.yield
    }) : () -> ()
    %dma_start3A_88 = arith.constant 1 : i32
    %dma_start3A_89 = arith.constant 0 : i32
    %dma_start3A_90 = arith.constant 0 : i32
    %dma_start3A_91 = tpu.memref_slice %arg6[%dma_start3A_88, %dma_start3A_89, %dma_start3A_90] : memref<2x128x128xi32, #tpu.memory_space<vmem>> -> memref<1x128x128xi32, #tpu.memory_space<vmem>>
    %dma_start3A_92 = tpu.memref_squeeze %dma_start3A_91 : memref<1x128x128xi32, #tpu.memory_space<vmem>> -> memref<128x128xi32, #tpu.memory_space<vmem>>
    %dma_start3A_93 = arith.constant 384 : i32
    %dma_start3A_94 = tpu.memref_slice %arg5[%dma_start3A_93] : memref<1024xi32, #tpu.memory_space<vmem>> -> memref<128xi32, #tpu.memory_space<vmem>>
    %dma_start3A_95 = arith.constant 0 : i32
    %dma_start3A_96 = arith.constant 0 : i32
    %dma_start3A_97 = tpu.memref_slice %arg3[%dma_start3A_95, %dma_start3A_96] : memref<4096x128xi32, #tpu.memory_space<hbm>> -> memref<4096x128xi32, #tpu.memory_space<hbm>>
    tpu.enqueue_indirect_dma source(%dma_start3A_97 : memref<4096x128xi32, #tpu.memory_space<hbm>>) target(%dma_start3A_92 : memref<128x128xi32, #tpu.memory_space<vmem>>) offsets(%dma_start3A_94 : memref<128xi32, #tpu.memory_space<vmem>>) semaphore(%arg7 : memref<!tpu.dma_semaphore, #tpu.memory_space<semaphore_mem>>)
    %dma_wait3A_98 = arith.constant 0 : i32
    %dma_wait3A_99 = arith.constant 0 : i32
    %dma_wait3A_100 = arith.constant 0 : i32
    %dma_wait3A_101 = tpu.memref_slice %arg6[%dma_wait3A_98, %dma_wait3A_99, %dma_wait3A_100] : memref<2x128x128xi32, #tpu.memory_space<vmem>> -> memref<1x128x128xi32, #tpu.memory_space<vmem>>
    %dma_wait3A_102 = tpu.memref_squeeze %dma_wait3A_101 : memref<1x128x128xi32, #tpu.memory_space<vmem>> -> memref<128x128xi32, #tpu.memory_space<vmem>>
    %dma_wait3A_103 = arith.constant 256 : i32
    %dma_wait3A_104 = tpu.memref_slice %arg5[%dma_wait3A_103] : memref<1024xi32, #tpu.memory_space<vmem>> -> memref<128xi32, #tpu.memory_space<vmem>>
    %dma_wait3A_105 = arith.constant 0 : i32
    %dma_wait3A_106 = arith.constant 0 : i32
    %dma_wait3A_107 = tpu.memref_slice %arg3[%dma_wait3A_105, %dma_wait3A_106] : memref<4096x128xi32, #tpu.memory_space<hbm>> -> memref<4096x128xi32, #tpu.memory_space<hbm>>
    tpu.wait_indirect_dma semaphore(%arg7 : memref<!tpu.dma_semaphore, #tpu.memory_space<semaphore_mem>>) src(%dma_wait3A_107 : memref<4096x128xi32, #tpu.memory_space<hbm>>) dst(%dma_wait3A_102 : memref<128x128xi32, #tpu.memory_space<vmem>>)
    %add3A_108 = arith.constant 256 : i32
    %add3A_109 = arith.addi %mul3A_2, %add3A_108 : i32
    %run_scoped3A_110 = arith.constant 0 : i32
    "tpu.region"() ({
      %run_scoped3A_216 = tpu.sem_alloc : memref<!tpu.dma_semaphore, #tpu.memory_space<semaphore_mem>>
      %dma_start3A_217 = arith.constant 0 : i32
      %dma_start3A_218 = arith.constant 0 : i32
      %dma_start3A_219 = tpu.memref_slice %arg6[%run_scoped3A_110, %dma_start3A_217, %dma_start3A_218] : memref<2x128x128xi32, #tpu.memory_space<vmem>> -> memref<1x128x128xi32, #tpu.memory_space<vmem>>
      %dma_start3A_220 = tpu.memref_squeeze %dma_start3A_219 : memref<1x128x128xi32, #tpu.memory_space<vmem>> -> memref<128x128xi32, #tpu.memory_space<vmem>>
      %dma_start3A_221 = arith.constant 0 : i32
      %dma_start3A_222 = tpu.memref_slice %arg4[%add3A_109, %dma_start3A_221] : memref<32768x128xi32, #tpu.memory_space<hbm>> -> memref<128x128xi32, #tpu.memory_space<hbm>>
      %dma_start3A_223 = arith.constant 0 : i32
      %dma_start3A_224 = tpu.memref_slice %arg4[%add3A_109, %dma_start3A_223] : memref<32768x128xi32, #tpu.memory_space<hbm>> -> memref<128x128xi32, #tpu.memory_space<hbm>>
      %dma_start3A_225 = arith.constant 0 : i32
      %dma_start3A_226 = arith.constant 0 : i32
      %dma_start3A_227 = tpu.memref_slice %arg6[%run_scoped3A_110, %dma_start3A_225, %dma_start3A_226] : memref<2x128x128xi32, #tpu.memory_space<vmem>> -> memref<1x128x128xi32, #tpu.memory_space<vmem>>
      %dma_start3A_228 = tpu.memref_squeeze %dma_start3A_227 : memref<1x128x128xi32, #tpu.memory_space<vmem>> -> memref<128x128xi32, #tpu.memory_space<vmem>>
      tpu.enqueue_dma source(%dma_start3A_228 : memref<128x128xi32, #tpu.memory_space<vmem>>) target(%dma_start3A_224 : memref<128x128xi32, #tpu.memory_space<hbm>>) target_semaphore(%run_scoped3A_216 : memref<!tpu.dma_semaphore, #tpu.memory_space<semaphore_mem>>)
      %dma_wait3A_229 = arith.constant 0 : i32
      %dma_wait3A_230 = arith.constant 0 : i32
      %dma_wait3A_231 = tpu.memref_slice %arg6[%run_scoped3A_110, %dma_wait3A_229, %dma_wait3A_230] : memref<2x128x128xi32, #tpu.memory_space<vmem>> -> memref<1x128x128xi32, #tpu.memory_space<vmem>>
      %dma_wait3A_232 = tpu.memref_squeeze %dma_wait3A_231 : memref<1x128x128xi32, #tpu.memory_space<vmem>> -> memref<128x128xi32, #tpu.memory_space<vmem>>
      %dma_wait3A_233 = arith.constant 0 : i32
      %dma_wait3A_234 = tpu.memref_slice %arg4[%add3A_109, %dma_wait3A_233] : memref<32768x128xi32, #tpu.memory_space<hbm>> -> memref<128x128xi32, #tpu.memory_space<hbm>>
      %dma_wait3A_235 = arith.constant 0 : i32
      %dma_wait3A_236 = tpu.memref_slice %arg4[%add3A_109, %dma_wait3A_235] : memref<32768x128xi32, #tpu.memory_space<hbm>> -> memref<128x128xi32, #tpu.memory_space<hbm>>
      %dma_wait3A_237 = arith.constant 0 : i32
      %dma_wait3A_238 = arith.constant 0 : i32
      %dma_wait3A_239 = tpu.memref_slice %arg6[%run_scoped3A_110, %dma_wait3A_237, %dma_wait3A_238] : memref<2x128x128xi32, #tpu.memory_space<vmem>> -> memref<1x128x128xi32, #tpu.memory_space<vmem>>
      %dma_wait3A_240 = tpu.memref_squeeze %dma_wait3A_239 : memref<1x128x128xi32, #tpu.memory_space<vmem>> -> memref<128x128xi32, #tpu.memory_space<vmem>>
      tpu.wait_dma2 semaphore(%run_scoped3A_216 : memref<!tpu.dma_semaphore, #tpu.memory_space<semaphore_mem>>) src(%dma_wait3A_240 : memref<128x128xi32, #tpu.memory_space<vmem>>) dst(%dma_wait3A_236 : memref<128x128xi32, #tpu.memory_space<hbm>>)
      tpu.yield
    }) : () -> ()
    %dma_start3A_111 = arith.constant 0 : i32
    %dma_start3A_112 = arith.constant 0 : i32
    %dma_start3A_113 = arith.constant 0 : i32
    %dma_start3A_114 = tpu.memref_slice %arg6[%dma_start3A_111, %dma_start3A_112, %dma_start3A_113] : memref<2x128x128xi32, #tpu.memory_space<vmem>> -> memref<1x128x128xi32, #tpu.memory_space<vmem>>
    %dma_start3A_115 = tpu.memref_squeeze %dma_start3A_114 : memref<1x128x128xi32, #tpu.memory_space<vmem>> -> memref<128x128xi32, #tpu.memory_space<vmem>>
    %dma_start3A_116 = arith.constant 512 : i32
    %dma_start3A_117 = tpu.memref_slice %arg5[%dma_start3A_116] : memref<1024xi32, #tpu.memory_space<vmem>> -> memref<128xi32, #tpu.memory_space<vmem>>
    %dma_start3A_118 = arith.constant 0 : i32
    %dma_start3A_119 = arith.constant 0 : i32
    %dma_start3A_120 = tpu.memref_slice %arg3[%dma_start3A_118, %dma_start3A_119] : memref<4096x128xi32, #tpu.memory_space<hbm>> -> memref<4096x128xi32, #tpu.memory_space<hbm>>
    tpu.enqueue_indirect_dma source(%dma_start3A_120 : memref<4096x128xi32, #tpu.memory_space<hbm>>) target(%dma_start3A_115 : memref<128x128xi32, #tpu.memory_space<vmem>>) offsets(%dma_start3A_117 : memref<128xi32, #tpu.memory_space<vmem>>) semaphore(%arg7 : memref<!tpu.dma_semaphore, #tpu.memory_space<semaphore_mem>>)
    %dma_wait3A_121 = arith.constant 1 : i32
    %dma_wait3A_122 = arith.constant 0 : i32
    %dma_wait3A_123 = arith.constant 0 : i32
    %dma_wait3A_124 = tpu.memref_slice %arg6[%dma_wait3A_121, %dma_wait3A_122, %dma_wait3A_123] : memref<2x128x128xi32, #tpu.memory_space<vmem>> -> memref<1x128x128xi32, #tpu.memory_space<vmem>>
    %dma_wait3A_125 = tpu.memref_squeeze %dma_wait3A_124 : memref<1x128x128xi32, #tpu.memory_space<vmem>> -> memref<128x128xi32, #tpu.memory_space<vmem>>
    %dma_wait3A_126 = arith.constant 384 : i32
    %dma_wait3A_127 = tpu.memref_slice %arg5[%dma_wait3A_126] : memref<1024xi32, #tpu.memory_space<vmem>> -> memref<128xi32, #tpu.memory_space<vmem>>
    %dma_wait3A_128 = arith.constant 0 : i32
    %dma_wait3A_129 = arith.constant 0 : i32
    %dma_wait3A_130 = tpu.memref_slice %arg3[%dma_wait3A_128, %dma_wait3A_129] : memref<4096x128xi32, #tpu.memory_space<hbm>> -> memref<4096x128xi32, #tpu.memory_space<hbm>>
    tpu.wait_indirect_dma semaphore(%arg7 : memref<!tpu.dma_semaphore, #tpu.memory_space<semaphore_mem>>) src(%dma_wait3A_130 : memref<4096x128xi32, #tpu.memory_space<hbm>>) dst(%dma_wait3A_125 : memref<128x128xi32, #tpu.memory_space<vmem>>)
    %add3A_131 = arith.constant 384 : i32
    %add3A_132 = arith.addi %mul3A_2, %add3A_131 : i32
    %run_scoped3A_133 = arith.constant 1 : i32
    "tpu.region"() ({
      %run_scoped3A_216 = tpu.sem_alloc : memref<!tpu.dma_semaphore, #tpu.memory_space<semaphore_mem>>
      %dma_start3A_217 = arith.constant 0 : i32
      %dma_start3A_218 = arith.constant 0 : i32
      %dma_start3A_219 = tpu.memref_slice %arg6[%run_scoped3A_133, %dma_start3A_217, %dma_start3A_218] : memref<2x128x128xi32, #tpu.memory_space<vmem>> -> memref<1x128x128xi32, #tpu.memory_space<vmem>>
      %dma_start3A_220 = tpu.memref_squeeze %dma_start3A_219 : memref<1x128x128xi32, #tpu.memory_space<vmem>> -> memref<128x128xi32, #tpu.memory_space<vmem>>
      %dma_start3A_221 = arith.constant 0 : i32
      %dma_start3A_222 = tpu.memref_slice %arg4[%add3A_132, %dma_start3A_221] : memref<32768x128xi32, #tpu.memory_space<hbm>> -> memref<128x128xi32, #tpu.memory_space<hbm>>
      %dma_start3A_223 = arith.constant 0 : i32
      %dma_start3A_224 = tpu.memref_slice %arg4[%add3A_132, %dma_start3A_223] : memref<32768x128xi32, #tpu.memory_space<hbm>> -> memref<128x128xi32, #tpu.memory_space<hbm>>
      %dma_start3A_225 = arith.constant 0 : i32
      %dma_start3A_226 = arith.constant 0 : i32
      %dma_start3A_227 = tpu.memref_slice %arg6[%run_scoped3A_133, %dma_start3A_225, %dma_start3A_226] : memref<2x128x128xi32, #tpu.memory_space<vmem>> -> memref<1x128x128xi32, #tpu.memory_space<vmem>>
      %dma_start3A_228 = tpu.memref_squeeze %dma_start3A_227 : memref<1x128x128xi32, #tpu.memory_space<vmem>> -> memref<128x128xi32, #tpu.memory_space<vmem>>
      tpu.enqueue_dma source(%dma_start3A_228 : memref<128x128xi32, #tpu.memory_space<vmem>>) target(%dma_start3A_224 : memref<128x128xi32, #tpu.memory_space<hbm>>) target_semaphore(%run_scoped3A_216 : memref<!tpu.dma_semaphore, #tpu.memory_space<semaphore_mem>>)
      %dma_wait3A_229 = arith.constant 0 : i32
      %dma_wait3A_230 = arith.constant 0 : i32
      %dma_wait3A_231 = tpu.memref_slice %arg6[%run_scoped3A_133, %dma_wait3A_229, %dma_wait3A_230] : memref<2x128x128xi32, #tpu.memory_space<vmem>> -> memref<1x128x128xi32, #tpu.memory_space<vmem>>
      %dma_wait3A_232 = tpu.memref_squeeze %dma_wait3A_231 : memref<1x128x128xi32, #tpu.memory_space<vmem>> -> memref<128x128xi32, #tpu.memory_space<vmem>>
      %dma_wait3A_233 = arith.constant 0 : i32
      %dma_wait3A_234 = tpu.memref_slice %arg4[%add3A_132, %dma_wait3A_233] : memref<32768x128xi32, #tpu.memory_space<hbm>> -> memref<128x128xi32, #tpu.memory_space<hbm>>
      %dma_wait3A_235 = arith.constant 0 : i32
      %dma_wait3A_236 = tpu.memref_slice %arg4[%add3A_132, %dma_wait3A_235] : memref<32768x128xi32, #tpu.memory_space<hbm>> -> memref<128x128xi32, #tpu.memory_space<hbm>>
      %dma_wait3A_237 = arith.constant 0 : i32
      %dma_wait3A_238 = arith.constant 0 : i32
      %dma_wait3A_239 = tpu.memref_slice %arg6[%run_scoped3A_133, %dma_wait3A_237, %dma_wait3A_238] : memref<2x128x128xi32, #tpu.memory_space<vmem>> -> memref<1x128x128xi32, #tpu.memory_space<vmem>>
      %dma_wait3A_240 = tpu.memref_squeeze %dma_wait3A_239 : memref<1x128x128xi32, #tpu.memory_space<vmem>> -> memref<128x128xi32, #tpu.memory_space<vmem>>
      tpu.wait_dma2 semaphore(%run_scoped3A_216 : memref<!tpu.dma_semaphore, #tpu.memory_space<semaphore_mem>>) src(%dma_wait3A_240 : memref<128x128xi32, #tpu.memory_space<vmem>>) dst(%dma_wait3A_236 : memref<128x128xi32, #tpu.memory_space<hbm>>)
      tpu.yield
    }) : () -> ()
    %dma_start3A_134 = arith.constant 1 : i32
    %dma_start3A_135 = arith.constant 0 : i32
    %dma_start3A_136 = arith.constant 0 : i32
    %dma_start3A_137 = tpu.memref_slice %arg6[%dma_start3A_134, %dma_start3A_135, %dma_start3A_136] : memref<2x128x128xi32, #tpu.memory_space<vmem>> -> memref<1x128x128xi32, #tpu.memory_space<vmem>>
    %dma_start3A_138 = tpu.memref_squeeze %dma_start3A_137 : memref<1x128x128xi32, #tpu.memory_space<vmem>> -> memref<128x128xi32, #tpu.memory_space<vmem>>
    %dma_start3A_139 = arith.constant 640 : i32
    %dma_start3A_140 = tpu.memref_slice %arg5[%dma_start3A_139] : memref<1024xi32, #tpu.memory_space<vmem>> -> memref<128xi32, #tpu.memory_space<vmem>>
    %dma_start3A_141 = arith.constant 0 : i32
    %dma_start3A_142 = arith.constant 0 : i32
    %dma_start3A_143 = tpu.memref_slice %arg3[%dma_start3A_141, %dma_start3A_142] : memref<4096x128xi32, #tpu.memory_space<hbm>> -> memref<4096x128xi32, #tpu.memory_space<hbm>>
    tpu.enqueue_indirect_dma source(%dma_start3A_143 : memref<4096x128xi32, #tpu.memory_space<hbm>>) target(%dma_start3A_138 : memref<128x128xi32, #tpu.memory_space<vmem>>) offsets(%dma_start3A_140 : memref<128xi32, #tpu.memory_space<vmem>>) semaphore(%arg7 : memref<!tpu.dma_semaphore, #tpu.memory_space<semaphore_mem>>)
    %dma_wait3A_144 = arith.constant 0 : i32
    %dma_wait3A_145 = arith.constant 0 : i32
    %dma_wait3A_146 = arith.constant 0 : i32
    %dma_wait3A_147 = tpu.memref_slice %arg6[%dma_wait3A_144, %dma_wait3A_145, %dma_wait3A_146] : memref<2x128x128xi32, #tpu.memory_space<vmem>> -> memref<1x128x128xi32, #tpu.memory_space<vmem>>
    %dma_wait3A_148 = tpu.memref_squeeze %dma_wait3A_147 : memref<1x128x128xi32, #tpu.memory_space<vmem>> -> memref<128x128xi32, #tpu.memory_space<vmem>>
    %dma_wait3A_149 = arith.constant 512 : i32
    %dma_wait3A_150 = tpu.memref_slice %arg5[%dma_wait3A_149] : memref<1024xi32, #tpu.memory_space<vmem>> -> memref<128xi32, #tpu.memory_space<vmem>>
    %dma_wait3A_151 = arith.constant 0 : i32
    %dma_wait3A_152 = arith.constant 0 : i32
    %dma_wait3A_153 = tpu.memref_slice %arg3[%dma_wait3A_151, %dma_wait3A_152] : memref<4096x128xi32, #tpu.memory_space<hbm>> -> memref<4096x128xi32, #tpu.memory_space<hbm>>
    tpu.wait_indirect_dma semaphore(%arg7 : memref<!tpu.dma_semaphore, #tpu.memory_space<semaphore_mem>>) src(%dma_wait3A_153 : memref<4096x128xi32, #tpu.memory_space<hbm>>) dst(%dma_wait3A_148 : memref<128x128xi32, #tpu.memory_space<vmem>>)
    %add3A_154 = arith.constant 512 : i32
    %add3A_155 = arith.addi %mul3A_2, %add3A_154 : i32
    %run_scoped3A_156 = arith.constant 0 : i32
    "tpu.region"() ({
      %run_scoped3A_216 = tpu.sem_alloc : memref<!tpu.dma_semaphore, #tpu.memory_space<semaphore_mem>>
      %dma_start3A_217 = arith.constant 0 : i32
      %dma_start3A_218 = arith.constant 0 : i32
      %dma_start3A_219 = tpu.memref_slice %arg6[%run_scoped3A_156, %dma_start3A_217, %dma_start3A_218] : memref<2x128x128xi32, #tpu.memory_space<vmem>> -> memref<1x128x128xi32, #tpu.memory_space<vmem>>
      %dma_start3A_220 = tpu.memref_squeeze %dma_start3A_219 : memref<1x128x128xi32, #tpu.memory_space<vmem>> -> memref<128x128xi32, #tpu.memory_space<vmem>>
      %dma_start3A_221 = arith.constant 0 : i32
      %dma_start3A_222 = tpu.memref_slice %arg4[%add3A_155, %dma_start3A_221] : memref<32768x128xi32, #tpu.memory_space<hbm>> -> memref<128x128xi32, #tpu.memory_space<hbm>>
      %dma_start3A_223 = arith.constant 0 : i32
      %dma_start3A_224 = tpu.memref_slice %arg4[%add3A_155, %dma_start3A_223] : memref<32768x128xi32, #tpu.memory_space<hbm>> -> memref<128x128xi32, #tpu.memory_space<hbm>>
      %dma_start3A_225 = arith.constant 0 : i32
      %dma_start3A_226 = arith.constant 0 : i32
      %dma_start3A_227 = tpu.memref_slice %arg6[%run_scoped3A_156, %dma_start3A_225, %dma_start3A_226] : memref<2x128x128xi32, #tpu.memory_space<vmem>> -> memref<1x128x128xi32, #tpu.memory_space<vmem>>
      %dma_start3A_228 = tpu.memref_squeeze %dma_start3A_227 : memref<1x128x128xi32, #tpu.memory_space<vmem>> -> memref<128x128xi32, #tpu.memory_space<vmem>>
      tpu.enqueue_dma source(%dma_start3A_228 : memref<128x128xi32, #tpu.memory_space<vmem>>) target(%dma_start3A_224 : memref<128x128xi32, #tpu.memory_space<hbm>>) target_semaphore(%run_scoped3A_216 : memref<!tpu.dma_semaphore, #tpu.memory_space<semaphore_mem>>)
      %dma_wait3A_229 = arith.constant 0 : i32
      %dma_wait3A_230 = arith.constant 0 : i32
      %dma_wait3A_231 = tpu.memref_slice %arg6[%run_scoped3A_156, %dma_wait3A_229, %dma_wait3A_230] : memref<2x128x128xi32, #tpu.memory_space<vmem>> -> memref<1x128x128xi32, #tpu.memory_space<vmem>>
      %dma_wait3A_232 = tpu.memref_squeeze %dma_wait3A_231 : memref<1x128x128xi32, #tpu.memory_space<vmem>> -> memref<128x128xi32, #tpu.memory_space<vmem>>
      %dma_wait3A_233 = arith.constant 0 : i32
      %dma_wait3A_234 = tpu.memref_slice %arg4[%add3A_155, %dma_wait3A_233] : memref<32768x128xi32, #tpu.memory_space<hbm>> -> memref<128x128xi32, #tpu.memory_space<hbm>>
      %dma_wait3A_235 = arith.constant 0 : i32
      %dma_wait3A_236 = tpu.memref_slice %arg4[%add3A_155, %dma_wait3A_235] : memref<32768x128xi32, #tpu.memory_space<hbm>> -> memref<128x128xi32, #tpu.memory_space<hbm>>
      %dma_wait3A_237 = arith.constant 0 : i32
      %dma_wait3A_238 = arith.constant 0 : i32
      %dma_wait3A_239 = tpu.memref_slice %arg6[%run_scoped3A_156, %dma_wait3A_237, %dma_wait3A_238] : memref<2x128x128xi32, #tpu.memory_space<vmem>> -> memref<1x128x128xi32, #tpu.memory_space<vmem>>
      %dma_wait3A_240 = tpu.memref_squeeze %dma_wait3A_239 : memref<1x128x128xi32, #tpu.memory_space<vmem>> -> memref<128x128xi32, #tpu.memory_space<vmem>>
      tpu.wait_dma2 semaphore(%run_scoped3A_216 : memref<!tpu.dma_semaphore, #tpu.memory_space<semaphore_mem>>) src(%dma_wait3A_240 : memref<128x128xi32, #tpu.memory_space<vmem>>) dst(%dma_wait3A_236 : memref<128x128xi32, #tpu.memory_space<hbm>>)
      tpu.yield
    }) : () -> ()
    %dma_start3A_157 = arith.constant 0 : i32
    %dma_start3A_158 = arith.constant 0 : i32
    %dma_start3A_159 = arith.constant 0 : i32
    %dma_start3A_160 = tpu.memref_slice %arg6[%dma_start3A_157, %dma_start3A_158, %dma_start3A_159] : memref<2x128x128xi32, #tpu.memory_space<vmem>> -> memref<1x128x128xi32, #tpu.memory_space<vmem>>
    %dma_start3A_161 = tpu.memref_squeeze %dma_start3A_160 : memref<1x128x128xi32, #tpu.memory_space<vmem>> -> memref<128x128xi32, #tpu.memory_space<vmem>>
    %dma_start3A_162 = arith.constant 768 : i32
    %dma_start3A_163 = tpu.memref_slice %arg5[%dma_start3A_162] : memref<1024xi32, #tpu.memory_space<vmem>> -> memref<128xi32, #tpu.memory_space<vmem>>
    %dma_start3A_164 = arith.constant 0 : i32
    %dma_start3A_165 = arith.constant 0 : i32
    %dma_start3A_166 = tpu.memref_slice %arg3[%dma_start3A_164, %dma_start3A_165] : memref<4096x128xi32, #tpu.memory_space<hbm>> -> memref<4096x128xi32, #tpu.memory_space<hbm>>
    tpu.enqueue_indirect_dma source(%dma_start3A_166 : memref<4096x128xi32, #tpu.memory_space<hbm>>) target(%dma_start3A_161 : memref<128x128xi32, #tpu.memory_space<vmem>>) offsets(%dma_start3A_163 : memref<128xi32, #tpu.memory_space<vmem>>) semaphore(%arg7 : memref<!tpu.dma_semaphore, #tpu.memory_space<semaphore_mem>>)
    %dma_wait3A_167 = arith.constant 1 : i32
    %dma_wait3A_168 = arith.constant 0 : i32
    %dma_wait3A_169 = arith.constant 0 : i32
    %dma_wait3A_170 = tpu.memref_slice %arg6[%dma_wait3A_167, %dma_wait3A_168, %dma_wait3A_169] : memref<2x128x128xi32, #tpu.memory_space<vmem>> -> memref<1x128x128xi32, #tpu.memory_space<vmem>>
    %dma_wait3A_171 = tpu.memref_squeeze %dma_wait3A_170 : memref<1x128x128xi32, #tpu.memory_space<vmem>> -> memref<128x128xi32, #tpu.memory_space<vmem>>
    %dma_wait3A_172 = arith.constant 640 : i32
    %dma_wait3A_173 = tpu.memref_slice %arg5[%dma_wait3A_172] : memref<1024xi32, #tpu.memory_space<vmem>> -> memref<128xi32, #tpu.memory_space<vmem>>
    %dma_wait3A_174 = arith.constant 0 : i32
    %dma_wait3A_175 = arith.constant 0 : i32
    %dma_wait3A_176 = tpu.memref_slice %arg3[%dma_wait3A_174, %dma_wait3A_175] : memref<4096x128xi32, #tpu.memory_space<hbm>> -> memref<4096x128xi32, #tpu.memory_space<hbm>>
    tpu.wait_indirect_dma semaphore(%arg7 : memref<!tpu.dma_semaphore, #tpu.memory_space<semaphore_mem>>) src(%dma_wait3A_176 : memref<4096x128xi32, #tpu.memory_space<hbm>>) dst(%dma_wait3A_171 : memref<128x128xi32, #tpu.memory_space<vmem>>)
    %add3A_177 = arith.constant 640 : i32
    %add3A_178 = arith.addi %mul3A_2, %add3A_177 : i32
    %run_scoped3A_179 = arith.constant 1 : i32
    "tpu.region"() ({
      %run_scoped3A_216 = tpu.sem_alloc : memref<!tpu.dma_semaphore, #tpu.memory_space<semaphore_mem>>
      %dma_start3A_217 = arith.constant 0 : i32
      %dma_start3A_218 = arith.constant 0 : i32
      %dma_start3A_219 = tpu.memref_slice %arg6[%run_scoped3A_179, %dma_start3A_217, %dma_start3A_218] : memref<2x128x128xi32, #tpu.memory_space<vmem>> -> memref<1x128x128xi32, #tpu.memory_space<vmem>>
      %dma_start3A_220 = tpu.memref_squeeze %dma_start3A_219 : memref<1x128x128xi32, #tpu.memory_space<vmem>> -> memref<128x128xi32, #tpu.memory_space<vmem>>
      %dma_start3A_221 = arith.constant 0 : i32
      %dma_start3A_222 = tpu.memref_slice %arg4[%add3A_178, %dma_start3A_221] : memref<32768x128xi32, #tpu.memory_space<hbm>> -> memref<128x128xi32, #tpu.memory_space<hbm>>
      %dma_start3A_223 = arith.constant 0 : i32
      %dma_start3A_224 = tpu.memref_slice %arg4[%add3A_178, %dma_start3A_223] : memref<32768x128xi32, #tpu.memory_space<hbm>> -> memref<128x128xi32, #tpu.memory_space<hbm>>
      %dma_start3A_225 = arith.constant 0 : i32
      %dma_start3A_226 = arith.constant 0 : i32
      %dma_start3A_227 = tpu.memref_slice %arg6[%run_scoped3A_179, %dma_start3A_225, %dma_start3A_226] : memref<2x128x128xi32, #tpu.memory_space<vmem>> -> memref<1x128x128xi32, #tpu.memory_space<vmem>>
      %dma_start3A_228 = tpu.memref_squeeze %dma_start3A_227 : memref<1x128x128xi32, #tpu.memory_space<vmem>> -> memref<128x128xi32, #tpu.memory_space<vmem>>
      tpu.enqueue_dma source(%dma_start3A_228 : memref<128x128xi32, #tpu.memory_space<vmem>>) target(%dma_start3A_224 : memref<128x128xi32, #tpu.memory_space<hbm>>) target_semaphore(%run_scoped3A_216 : memref<!tpu.dma_semaphore, #tpu.memory_space<semaphore_mem>>)
      %dma_wait3A_229 = arith.constant 0 : i32
      %dma_wait3A_230 = arith.constant 0 : i32
      %dma_wait3A_231 = tpu.memref_slice %arg6[%run_scoped3A_179, %dma_wait3A_229, %dma_wait3A_230] : memref<2x128x128xi32, #tpu.memory_space<vmem>> -> memref<1x128x128xi32, #tpu.memory_space<vmem>>
      %dma_wait3A_232 = tpu.memref_squeeze %dma_wait3A_231 : memref<1x128x128xi32, #tpu.memory_space<vmem>> -> memref<128x128xi32, #tpu.memory_space<vmem>>
      %dma_wait3A_233 = arith.constant 0 : i32
      %dma_wait3A_234 = tpu.memref_slice %arg4[%add3A_178, %dma_wait3A_233] : memref<32768x128xi32, #tpu.memory_space<hbm>> -> memref<128x128xi32, #tpu.memory_space<hbm>>
      %dma_wait3A_235 = arith.constant 0 : i32
      %dma_wait3A_236 = tpu.memref_slice %arg4[%add3A_178, %dma_wait3A_235] : memref<32768x128xi32, #tpu.memory_space<hbm>> -> memref<128x128xi32, #tpu.memory_space<hbm>>
      %dma_wait3A_237 = arith.constant 0 : i32
      %dma_wait3A_238 = arith.constant 0 : i32
      %dma_wait3A_239 = tpu.memref_slice %arg6[%run_scoped3A_179, %dma_wait3A_237, %dma_wait3A_238] : memref<2x128x128xi32, #tpu.memory_space<vmem>> -> memref<1x128x128xi32, #tpu.memory_space<vmem>>
      %dma_wait3A_240 = tpu.memref_squeeze %dma_wait3A_239 : memref<1x128x128xi32, #tpu.memory_space<vmem>> -> memref<128x128xi32, #tpu.memory_space<vmem>>
      tpu.wait_dma2 semaphore(%run_scoped3A_216 : memref<!tpu.dma_semaphore, #tpu.memory_space<semaphore_mem>>) src(%dma_wait3A_240 : memref<128x128xi32, #tpu.memory_space<vmem>>) dst(%dma_wait3A_236 : memref<128x128xi32, #tpu.memory_space<hbm>>)
      tpu.yield
    }) : () -> ()
    %dma_start3A_180 = arith.constant 1 : i32
    %dma_start3A_181 = arith.constant 0 : i32
    %dma_start3A_182 = arith.constant 0 : i32
    %dma_start3A_183 = tpu.memref_slice %arg6[%dma_start3A_180, %dma_start3A_181, %dma_start3A_182] : memref<2x128x128xi32, #tpu.memory_space<vmem>> -> memref<1x128x128xi32, #tpu.memory_space<vmem>>
    %dma_start3A_184 = tpu.memref_squeeze %dma_start3A_183 : memref<1x128x128xi32, #tpu.memory_space<vmem>> -> memref<128x128xi32, #tpu.memory_space<vmem>>
    %dma_start3A_185 = arith.constant 896 : i32
    %dma_start3A_186 = tpu.memref_slice %arg5[%dma_start3A_185] : memref<1024xi32, #tpu.memory_space<vmem>> -> memref<128xi32, #tpu.memory_space<vmem>>
    %dma_start3A_187 = arith.constant 0 : i32
    %dma_start3A_188 = arith.constant 0 : i32
    %dma_start3A_189 = tpu.memref_slice %arg3[%dma_start3A_187, %dma_start3A_188] : memref<4096x128xi32, #tpu.memory_space<hbm>> -> memref<4096x128xi32, #tpu.memory_space<hbm>>
    tpu.enqueue_indirect_dma source(%dma_start3A_189 : memref<4096x128xi32, #tpu.memory_space<hbm>>) target(%dma_start3A_184 : memref<128x128xi32, #tpu.memory_space<vmem>>) offsets(%dma_start3A_186 : memref<128xi32, #tpu.memory_space<vmem>>) semaphore(%arg7 : memref<!tpu.dma_semaphore, #tpu.memory_space<semaphore_mem>>)
    %dma_wait3A_190 = arith.constant 0 : i32
    %dma_wait3A_191 = arith.constant 0 : i32
    %dma_wait3A_192 = arith.constant 0 : i32
    %dma_wait3A_193 = tpu.memref_slice %arg6[%dma_wait3A_190, %dma_wait3A_191, %dma_wait3A_192] : memref<2x128x128xi32, #tpu.memory_space<vmem>> -> memref<1x128x128xi32, #tpu.memory_space<vmem>>
    %dma_wait3A_194 = tpu.memref_squeeze %dma_wait3A_193 : memref<1x128x128xi32, #tpu.memory_space<vmem>> -> memref<128x128xi32, #tpu.memory_space<vmem>>
    %dma_wait3A_195 = arith.constant 768 : i32
    %dma_wait3A_196 = tpu.memref_slice %arg5[%dma_wait3A_195] : memref<1024xi32, #tpu.memory_space<vmem>> -> memref<128xi32, #tpu.memory_space<vmem>>
    %dma_wait3A_197 = arith.constant 0 : i32
    %dma_wait3A_198 = arith.constant 0 : i32
    %dma_wait3A_199 = tpu.memref_slice %arg3[%dma_wait3A_197, %dma_wait3A_198] : memref<4096x128xi32, #tpu.memory_space<hbm>> -> memref<4096x128xi32, #tpu.memory_space<hbm>>
    tpu.wait_indirect_dma semaphore(%arg7 : memref<!tpu.dma_semaphore, #tpu.memory_space<semaphore_mem>>) src(%dma_wait3A_199 : memref<4096x128xi32, #tpu.memory_space<hbm>>) dst(%dma_wait3A_194 : memref<128x128xi32, #tpu.memory_space<vmem>>)
    %add3A_200 = arith.constant 768 : i32
    %add3A_201 = arith.addi %mul3A_2, %add3A_200 : i32
    %run_scoped3A_202 = arith.constant 0 : i32
    "tpu.region"() ({
      %run_scoped3A_216 = tpu.sem_alloc : memref<!tpu.dma_semaphore, #tpu.memory_space<semaphore_mem>>
      %dma_start3A_217 = arith.constant 0 : i32
      %dma_start3A_218 = arith.constant 0 : i32
      %dma_start3A_219 = tpu.memref_slice %arg6[%run_scoped3A_202, %dma_start3A_217, %dma_start3A_218] : memref<2x128x128xi32, #tpu.memory_space<vmem>> -> memref<1x128x128xi32, #tpu.memory_space<vmem>>
      %dma_start3A_220 = tpu.memref_squeeze %dma_start3A_219 : memref<1x128x128xi32, #tpu.memory_space<vmem>> -> memref<128x128xi32, #tpu.memory_space<vmem>>
      %dma_start3A_221 = arith.constant 0 : i32
      %dma_start3A_222 = tpu.memref_slice %arg4[%add3A_201, %dma_start3A_221] : memref<32768x128xi32, #tpu.memory_space<hbm>> -> memref<128x128xi32, #tpu.memory_space<hbm>>
      %dma_start3A_223 = arith.constant 0 : i32
      %dma_start3A_224 = tpu.memref_slice %arg4[%add3A_201, %dma_start3A_223] : memref<32768x128xi32, #tpu.memory_space<hbm>> -> memref<128x128xi32, #tpu.memory_space<hbm>>
      %dma_start3A_225 = arith.constant 0 : i32
      %dma_start3A_226 = arith.constant 0 : i32
      %dma_start3A_227 = tpu.memref_slice %arg6[%run_scoped3A_202, %dma_start3A_225, %dma_start3A_226] : memref<2x128x128xi32, #tpu.memory_space<vmem>> -> memref<1x128x128xi32, #tpu.memory_space<vmem>>
      %dma_start3A_228 = tpu.memref_squeeze %dma_start3A_227 : memref<1x128x128xi32, #tpu.memory_space<vmem>> -> memref<128x128xi32, #tpu.memory_space<vmem>>
      tpu.enqueue_dma source(%dma_start3A_228 : memref<128x128xi32, #tpu.memory_space<vmem>>) target(%dma_start3A_224 : memref<128x128xi32, #tpu.memory_space<hbm>>) target_semaphore(%run_scoped3A_216 : memref<!tpu.dma_semaphore, #tpu.memory_space<semaphore_mem>>)
      %dma_wait3A_229 = arith.constant 0 : i32
      %dma_wait3A_230 = arith.constant 0 : i32
      %dma_wait3A_231 = tpu.memref_slice %arg6[%run_scoped3A_202, %dma_wait3A_229, %dma_wait3A_230] : memref<2x128x128xi32, #tpu.memory_space<vmem>> -> memref<1x128x128xi32, #tpu.memory_space<vmem>>
      %dma_wait3A_232 = tpu.memref_squeeze %dma_wait3A_231 : memref<1x128x128xi32, #tpu.memory_space<vmem>> -> memref<128x128xi32, #tpu.memory_space<vmem>>
      %dma_wait3A_233 = arith.constant 0 : i32
      %dma_wait3A_234 = tpu.memref_slice %arg4[%add3A_201, %dma_wait3A_233] : memref<32768x128xi32, #tpu.memory_space<hbm>> -> memref<128x128xi32, #tpu.memory_space<hbm>>
      %dma_wait3A_235 = arith.constant 0 : i32
      %dma_wait3A_236 = tpu.memref_slice %arg4[%add3A_201, %dma_wait3A_235] : memref<32768x128xi32, #tpu.memory_space<hbm>> -> memref<128x128xi32, #tpu.memory_space<hbm>>
      %dma_wait3A_237 = arith.constant 0 : i32
      %dma_wait3A_238 = arith.constant 0 : i32
      %dma_wait3A_239 = tpu.memref_slice %arg6[%run_scoped3A_202, %dma_wait3A_237, %dma_wait3A_238] : memref<2x128x128xi32, #tpu.memory_space<vmem>> -> memref<1x128x128xi32, #tpu.memory_space<vmem>>
      %dma_wait3A_240 = tpu.memref_squeeze %dma_wait3A_239 : memref<1x128x128xi32, #tpu.memory_space<vmem>> -> memref<128x128xi32, #tpu.memory_space<vmem>>
      tpu.wait_dma2 semaphore(%run_scoped3A_216 : memref<!tpu.dma_semaphore, #tpu.memory_space<semaphore_mem>>) src(%dma_wait3A_240 : memref<128x128xi32, #tpu.memory_space<vmem>>) dst(%dma_wait3A_236 : memref<128x128xi32, #tpu.memory_space<hbm>>)
      tpu.yield
    }) : () -> ()
    %dma_wait3A_203 = arith.constant 1 : i32
    %dma_wait3A_204 = arith.constant 0 : i32
    %dma_wait3A_205 = arith.constant 0 : i32
    %dma_wait3A_206 = tpu.memref_slice %arg6[%dma_wait3A_203, %dma_wait3A_204, %dma_wait3A_205] : memref<2x128x128xi32, #tpu.memory_space<vmem>> -> memref<1x128x128xi32, #tpu.memory_space<vmem>>
    %dma_wait3A_207 = tpu.memref_squeeze %dma_wait3A_206 : memref<1x128x128xi32, #tpu.memory_space<vmem>> -> memref<128x128xi32, #tpu.memory_space<vmem>>
    %dma_wait3A_208 = arith.constant 896 : i32
    %dma_wait3A_209 = tpu.memref_slice %arg5[%dma_wait3A_208] : memref<1024xi32, #tpu.memory_space<vmem>> -> memref<128xi32, #tpu.memory_space<vmem>>
    %dma_wait3A_210 = arith.constant 0 : i32
    %dma_wait3A_211 = arith.constant 0 : i32
    %dma_wait3A_212 = tpu.memref_slice %arg3[%dma_wait3A_210, %dma_wait3A_211] : memref<4096x128xi32, #tpu.memory_space<hbm>> -> memref<4096x128xi32, #tpu.memory_space<hbm>>
    tpu.wait_indirect_dma semaphore(%arg7 : memref<!tpu.dma_semaphore, #tpu.memory_space<semaphore_mem>>) src(%dma_wait3A_212 : memref<4096x128xi32, #tpu.memory_space<hbm>>) dst(%dma_wait3A_207 : memref<128x128xi32, #tpu.memory_space<vmem>>)
    %add3A_213 = arith.constant 896 : i32
    %add3A_214 = arith.addi %mul3A_2, %add3A_213 : i32
    %run_scoped3A_215 = arith.constant 1 : i32
    "tpu.region"() ({
      %run_scoped3A_216 = tpu.sem_alloc : memref<!tpu.dma_semaphore, #tpu.memory_space<semaphore_mem>>
      %dma_start3A_217 = arith.constant 0 : i32
      %dma_start3A_218 = arith.constant 0 : i32
      %dma_start3A_219 = tpu.memref_slice %arg6[%run_scoped3A_215, %dma_start3A_217, %dma_start3A_218] : memref<2x128x128xi32, #tpu.memory_space<vmem>> -> memref<1x128x128xi32, #tpu.memory_space<vmem>>
      %dma_start3A_220 = tpu.memref_squeeze %dma_start3A_219 : memref<1x128x128xi32, #tpu.memory_space<vmem>> -> memref<128x128xi32, #tpu.memory_space<vmem>>
      %dma_start3A_221 = arith.constant 0 : i32
      %dma_start3A_222 = tpu.memref_slice %arg4[%add3A_214, %dma_start3A_221] : memref<32768x128xi32, #tpu.memory_space<hbm>> -> memref<128x128xi32, #tpu.memory_space<hbm>>
      %dma_start3A_223 = arith.constant 0 : i32
      %dma_start3A_224 = tpu.memref_slice %arg4[%add3A_214, %dma_start3A_223] : memref<32768x128xi32, #tpu.memory_space<hbm>> -> memref<128x128xi32, #tpu.memory_space<hbm>>
      %dma_start3A_225 = arith.constant 0 : i32
      %dma_start3A_226 = arith.constant 0 : i32
      %dma_start3A_227 = tpu.memref_slice %arg6[%run_scoped3A_215, %dma_start3A_225, %dma_start3A_226] : memref<2x128x128xi32, #tpu.memory_space<vmem>> -> memref<1x128x128xi32, #tpu.memory_space<vmem>>
      %dma_start3A_228 = tpu.memref_squeeze %dma_start3A_227 : memref<1x128x128xi32, #tpu.memory_space<vmem>> -> memref<128x128xi32, #tpu.memory_space<vmem>>
      tpu.enqueue_dma source(%dma_start3A_228 : memref<128x128xi32, #tpu.memory_space<vmem>>) target(%dma_start3A_224 : memref<128x128xi32, #tpu.memory_space<hbm>>) target_semaphore(%run_scoped3A_216 : memref<!tpu.dma_semaphore, #tpu.memory_space<semaphore_mem>>)
      %dma_wait3A_229 = arith.constant 0 : i32
      %dma_wait3A_230 = arith.constant 0 : i32
      %dma_wait3A_231 = tpu.memref_slice %arg6[%run_scoped3A_215, %dma_wait3A_229, %dma_wait3A_230] : memref<2x128x128xi32, #tpu.memory_space<vmem>> -> memref<1x128x128xi32, #tpu.memory_space<vmem>>
      %dma_wait3A_232 = tpu.memref_squeeze %dma_wait3A_231 : memref<1x128x128xi32, #tpu.memory_space<vmem>> -> memref<128x128xi32, #tpu.memory_space<vmem>>
      %dma_wait3A_233 = arith.constant 0 : i32
      %dma_wait3A_234 = tpu.memref_slice %arg4[%add3A_214, %dma_wait3A_233] : memref<32768x128xi32, #tpu.memory_space<hbm>> -> memref<128x128xi32, #tpu.memory_space<hbm>>
      %dma_wait3A_235 = arith.constant 0 : i32
      %dma_wait3A_236 = tpu.memref_slice %arg4[%add3A_214, %dma_wait3A_235] : memref<32768x128xi32, #tpu.memory_space<hbm>> -> memref<128x128xi32, #tpu.memory_space<hbm>>
      %dma_wait3A_237 = arith.constant 0 : i32
      %dma_wait3A_238 = arith.constant 0 : i32
      %dma_wait3A_239 = tpu.memref_slice %arg6[%run_scoped3A_215, %dma_wait3A_237, %dma_wait3A_238] : memref<2x128x128xi32, #tpu.memory_space<vmem>> -> memref<1x128x128xi32, #tpu.memory_space<vmem>>
      %dma_wait3A_240 = tpu.memref_squeeze %dma_wait3A_239 : memref<1x128x128xi32, #tpu.memory_space<vmem>> -> memref<128x128xi32, #tpu.memory_space<vmem>>
      tpu.wait_dma2 semaphore(%run_scoped3A_216 : memref<!tpu.dma_semaphore, #tpu.memory_space<semaphore_mem>>) src(%dma_wait3A_240 : memref<128x128xi32, #tpu.memory_space<vmem>>) dst(%dma_wait3A_236 : memref<128x128xi32, #tpu.memory_space<hbm>>)
      tpu.yield
    }) : () -> ()
    return
  }
}

module attributes {stable_mosaic.version = 14 : i64} {
  func.func @_stage1_body(%arg0: i32, %arg1: i32, %arg2: memref<1x1024x3xf32, #tpu.memory_space<vmem>>, %arg3: memref<1x1024x320xf32, #tpu.memory_space<vmem>>, %arg4: memref<1x1024x3xf32, #tpu.memory_space<vmem>>, %arg5: memref<1x1x256xf32, #tpu.memory_space<vmem>>, %arg6: memref<256x320xf32, #tpu.memory_space<vmem>>, %arg7: memref<256x320xf32, #tpu.memory_space<vmem>>, %arg8: memref<256x3xf32, #tpu.memory_space<vmem>>, %arg9: memref<256x3xf32, #tpu.memory_space<vmem>>, %arg10: memref<256x256xf32, #tpu.memory_space<vmem>>, %arg11: memref<1x256xf32, #tpu.memory_space<vmem>>, %arg12: memref<1x1024x8xi32, #tpu.memory_space<vmem>>, %arg13: memref<8x1024xi32, #tpu.memory_space<vmem>>, %arg14: memref<1x1024x256xf32, #tpu.memory_space<vmem>>, %arg15: memref<1x1024x128xi32, #tpu.memory_space<vmem>>) attributes {dimension_semantics = [#tpu.dimension_semantics<arbitrary>, #tpu.dimension_semantics<arbitrary>], iteration_bounds = array<i64: 4, 1>, scalar_prefetch = 0 : i64, scratch_operands = 0 : i64, tpu.core_type = #tpu.core_type<tc>, window_params = [{transform_indices = @transform_0, window_bounds = array<i64: 1, 1024, 3>}, {transform_indices = @transform_1, window_bounds = array<i64: 1, 1024, 320>}, {transform_indices = @transform_2, window_bounds = array<i64: 1, 1024, 3>}, {transform_indices = @transform_3, window_bounds = array<i64: 1, 1, 256>}, {pipeline_mode = #tpu.pipeline_mode<synchronous>, transform_indices = @transform_4, window_bounds = array<i64: 256, 320>}, {pipeline_mode = #tpu.pipeline_mode<synchronous>, transform_indices = @transform_5, window_bounds = array<i64: 256, 320>}, {pipeline_mode = #tpu.pipeline_mode<synchronous>, transform_indices = @transform_6, window_bounds = array<i64: 256, 3>}, {pipeline_mode = #tpu.pipeline_mode<synchronous>, transform_indices = @transform_7, window_bounds = array<i64: 256, 3>}, {pipeline_mode = #tpu.pipeline_mode<synchronous>, transform_indices = @transform_8, window_bounds = array<i64: 256, 256>}, {pipeline_mode = #tpu.pipeline_mode<synchronous>, transform_indices = @transform_9, window_bounds = array<i64: 1, 256>}, {transform_indices = @transform_10, window_bounds = array<i64: 1, 1024, 8>}, {transform_indices = @transform_11, window_bounds = array<i64: 8, 1024>}, {transform_indices = @transform_12, window_bounds = array<i64: 1, 1024, 256>}, {transform_indices = @transform_13, window_bounds = array<i64: 1, 1024, 128>}]} {
    %mul3A = arith.constant 1024 : i32
    %mul3A_0 = arith.muli %arg1, %mul3A : i32
    %get3A = arith.constant 0 : index
    %get3A_1 = arith.index_cast %mul3A_0 : i32 to index
    %get3A_2 = arith.constant 0 : index
    %get3A_3 = vector.load %arg2[%get3A, %get3A_1, %get3A_2] : memref<1x1024x3xf32, #tpu.memory_space<vmem>>, vector<1x1024x3xf32>
    %get3A_4 = vector.shape_cast %get3A_3 : vector<1x1024x3xf32> to vector<1024x3xf32>
    %get3A_5 = arith.constant 0 : index
    %get3A_6 = arith.constant 0 : index
    %get3A_7 = arith.constant 0 : index
    %get3A_8 = vector.load %arg2[%get3A_5, %get3A_6, %get3A_7] : memref<1x1024x3xf32, #tpu.memory_space<vmem>>, vector<1x1024x3xf32>
    %get3A_9 = vector.shape_cast %get3A_8 : vector<1x1024x3xf32> to vector<1024x3xf32>
    %transpose3A = tpu.transpose %get3A_9, [1, 0] : vector<1024x3xf32> -> vector<3x1024xf32>
    %broadcast_in_dim3A = arith.constant 0.000000e+00 : f32
    %broadcast_in_dim3A_10 = vector.broadcast %broadcast_in_dim3A : f32 to vector<1024x1024xf32>
    %slice3A = vector.extract_strided_slice %get3A_4 {offsets = [0, 0], sizes = [1024, 1], strides = [1, 1]} : vector<1024x3xf32> to vector<1024x1xf32>
    %slice3A_11 = vector.extract_strided_slice %transpose3A {offsets = [0, 0], sizes = [1, 1024], strides = [1, 1]} : vector<3x1024xf32> to vector<1x1024xf32>
    %sub3A = vector.broadcast %slice3A : vector<1024x1xf32> to vector<1024x1024xf32>
    %sub3A_12 = vector.broadcast %slice3A_11 : vector<1x1024xf32> to vector<1024x1024xf32>
    %sub3A_13 = arith.subf %sub3A, %sub3A_12 : vector<1024x1024xf32>
    %mul3A_14 = arith.mulf %sub3A_13, %sub3A_13 : vector<1024x1024xf32>
    %add3A = arith.addf %broadcast_in_dim3A_10, %mul3A_14 : vector<1024x1024xf32>
    %slice3A_15 = vector.extract_strided_slice %get3A_4 {offsets = [0, 1], sizes = [1024, 1], strides = [1, 1]} : vector<1024x3xf32> to vector<1024x1xf32>
    %slice3A_16 = vector.extract_strided_slice %transpose3A {offsets = [1, 0], sizes = [1, 1024], strides = [1, 1]} : vector<3x1024xf32> to vector<1x1024xf32>
    %sub3A_17 = vector.broadcast %slice3A_15 : vector<1024x1xf32> to vector<1024x1024xf32>
    %sub3A_18 = vector.broadcast %slice3A_16 : vector<1x1024xf32> to vector<1024x1024xf32>
    %sub3A_19 = arith.subf %sub3A_17, %sub3A_18 : vector<1024x1024xf32>
    %mul3A_20 = arith.mulf %sub3A_19, %sub3A_19 : vector<1024x1024xf32>
    %add3A_21 = arith.addf %add3A, %mul3A_20 : vector<1024x1024xf32>
    %slice3A_22 = vector.extract_strided_slice %get3A_4 {offsets = [0, 2], sizes = [1024, 1], strides = [1, 1]} : vector<1024x3xf32> to vector<1024x1xf32>
    %slice3A_23 = vector.extract_strided_slice %transpose3A {offsets = [2, 0], sizes = [1, 1024], strides = [1, 1]} : vector<3x1024xf32> to vector<1x1024xf32>
    %sub3A_24 = vector.broadcast %slice3A_22 : vector<1024x1xf32> to vector<1024x1024xf32>
    %sub3A_25 = vector.broadcast %slice3A_23 : vector<1x1024xf32> to vector<1024x1024xf32>
    %sub3A_26 = arith.subf %sub3A_24, %sub3A_25 : vector<1024x1024xf32>
    %mul3A_27 = arith.mulf %sub3A_26, %sub3A_26 : vector<1024x1024xf32>
    %add3A_28 = arith.addf %add3A_21, %mul3A_27 : vector<1024x1024xf32>
    %div3A = arith.constant 2.500000e+01 : f32
    %div3A_29 = vector.broadcast %div3A : f32 to vector<1024x1024xf32>
    %div3A_30 = arith.divf %add3A_28, %div3A_29 : vector<1024x1024xf32>
    %mul3A_31 = arith.constant 1024 : i32
    %mul3A_32 = arith.muli %arg1, %mul3A_31 : i32
    %iota3A = tpu.iota {dimensions = array<i32: 0>} : vector<1024x1024xi32>
    %add3A_33 = vector.broadcast %mul3A_32 : i32 to vector<1024x1024xi32>
    %add3A_34 = arith.addi %add3A_33, %iota3A : vector<1024x1024xi32>
    %iota3A_35 = tpu.iota {dimensions = array<i32: 1>} : vector<1024x1024xi32>
    %eq3A = arith.cmpi eq, %add3A_34, %iota3A_35 : vector<1024x1024xi32>
    %jit3A = arith.constant 0x7F800000 : f32
    %broadcast_in_dim3A_36 = vector.broadcast %jit3A : f32 to vector<1024x1024xf32>
    %select_n3A = arith.select %eq3A, %broadcast_in_dim3A_36, %div3A_30 : vector<1024x1024xi1>, vector<1024x1024xf32>
    %convert_element_type3A = arith.sitofp %iota3A_35 : vector<1024x1024xi32> to vector<1024x1024xf32>
    %reduce_min3A = arith.constant dense<0x7F800000> : vector<1024xf32>
    %reduce_min3A_37 = vector.multi_reduction <minimumf>, %select_n3A, %reduce_min3A [1] : vector<1024x1024xf32> to vector<1024xf32>
    %broadcast_in_dim3A_38 = vector.shape_cast %reduce_min3A_37 : vector<1024xf32> to vector<1024x1xf32>
    %eq3A_39 = vector.broadcast %broadcast_in_dim3A_38 : vector<1024x1xf32> to vector<1024x1024xf32>
    %eq3A_40 = arith.cmpf oeq, %select_n3A, %eq3A_39 : vector<1024x1024xf32>
    %jit3A_41 = arith.constant 1.024000e+03 : f32
    %broadcast_in_dim3A_42 = vector.broadcast %jit3A_41 : f32 to vector<1024x1024xf32>
    %select_n3A_43 = arith.select %eq3A_40, %convert_element_type3A, %broadcast_in_dim3A_42 : vector<1024x1024xi1>, vector<1024x1024xf32>
    %reduce_min3A_44 = arith.constant dense<0x7F800000> : vector<1024xf32>
    %reduce_min3A_45 = vector.multi_reduction <minimumf>, %select_n3A_43, %reduce_min3A_44 [1] : vector<1024x1024xf32> to vector<1024xf32>
    %broadcast_in_dim3A_46 = vector.shape_cast %reduce_min3A_45 : vector<1024xf32> to vector<1024x1xf32>
    %eq3A_47 = vector.broadcast %broadcast_in_dim3A_46 : vector<1024x1xf32> to vector<1024x1024xf32>
    %eq3A_48 = arith.cmpf oeq, %convert_element_type3A, %eq3A_47 : vector<1024x1024xf32>
    %jit3A_49 = arith.constant 0x7F800000 : f32
    %broadcast_in_dim3A_50 = vector.broadcast %jit3A_49 : f32 to vector<1024x1024xf32>
    %select_n3A_51 = arith.select %eq3A_48, %broadcast_in_dim3A_50, %select_n3A : vector<1024x1024xi1>, vector<1024x1024xf32>
    %reduce_min3A_52 = arith.constant dense<0x7F800000> : vector<1024xf32>
    %reduce_min3A_53 = vector.multi_reduction <minimumf>, %select_n3A_51, %reduce_min3A_52 [1] : vector<1024x1024xf32> to vector<1024xf32>
    %broadcast_in_dim3A_54 = vector.shape_cast %reduce_min3A_53 : vector<1024xf32> to vector<1024x1xf32>
    %eq3A_55 = vector.broadcast %broadcast_in_dim3A_54 : vector<1024x1xf32> to vector<1024x1024xf32>
    %eq3A_56 = arith.cmpf oeq, %select_n3A_51, %eq3A_55 : vector<1024x1024xf32>
    %jit3A_57 = arith.constant 1.024000e+03 : f32
    %broadcast_in_dim3A_58 = vector.broadcast %jit3A_57 : f32 to vector<1024x1024xf32>
    %select_n3A_59 = arith.select %eq3A_56, %convert_element_type3A, %broadcast_in_dim3A_58 : vector<1024x1024xi1>, vector<1024x1024xf32>
    %reduce_min3A_60 = arith.constant dense<0x7F800000> : vector<1024xf32>
    %reduce_min3A_61 = vector.multi_reduction <minimumf>, %select_n3A_59, %reduce_min3A_60 [1] : vector<1024x1024xf32> to vector<1024xf32>
    %broadcast_in_dim3A_62 = vector.shape_cast %reduce_min3A_61 : vector<1024xf32> to vector<1024x1xf32>
    %eq3A_63 = vector.broadcast %broadcast_in_dim3A_62 : vector<1024x1xf32> to vector<1024x1024xf32>
    %eq3A_64 = arith.cmpf oeq, %convert_element_type3A, %eq3A_63 : vector<1024x1024xf32>
    %jit3A_65 = arith.constant 0x7F800000 : f32
    %broadcast_in_dim3A_66 = vector.broadcast %jit3A_65 : f32 to vector<1024x1024xf32>
    %select_n3A_67 = arith.select %eq3A_64, %broadcast_in_dim3A_66, %select_n3A_51 : vector<1024x1024xi1>, vector<1024x1024xf32>
    %reduce_min3A_68 = arith.constant dense<0x7F800000> : vector<1024xf32>
    %reduce_min3A_69 = vector.multi_reduction <minimumf>, %select_n3A_67, %reduce_min3A_68 [1] : vector<1024x1024xf32> to vector<1024xf32>
    %broadcast_in_dim3A_70 = vector.shape_cast %reduce_min3A_69 : vector<1024xf32> to vector<1024x1xf32>
    %eq3A_71 = vector.broadcast %broadcast_in_dim3A_70 : vector<1024x1xf32> to vector<1024x1024xf32>
    %eq3A_72 = arith.cmpf oeq, %select_n3A_67, %eq3A_71 : vector<1024x1024xf32>
    %jit3A_73 = arith.constant 1.024000e+03 : f32
    %broadcast_in_dim3A_74 = vector.broadcast %jit3A_73 : f32 to vector<1024x1024xf32>
    %select_n3A_75 = arith.select %eq3A_72, %convert_element_type3A, %broadcast_in_dim3A_74 : vector<1024x1024xi1>, vector<1024x1024xf32>
    %reduce_min3A_76 = arith.constant dense<0x7F800000> : vector<1024xf32>
    %reduce_min3A_77 = vector.multi_reduction <minimumf>, %select_n3A_75, %reduce_min3A_76 [1] : vector<1024x1024xf32> to vector<1024xf32>
    %broadcast_in_dim3A_78 = vector.shape_cast %reduce_min3A_77 : vector<1024xf32> to vector<1024x1xf32>
    %eq3A_79 = vector.broadcast %broadcast_in_dim3A_78 : vector<1024x1xf32> to vector<1024x1024xf32>
    %eq3A_80 = arith.cmpf oeq, %convert_element_type3A, %eq3A_79 : vector<1024x1024xf32>
    %jit3A_81 = arith.constant 0x7F800000 : f32
    %broadcast_in_dim3A_82 = vector.broadcast %jit3A_81 : f32 to vector<1024x1024xf32>
    %select_n3A_83 = arith.select %eq3A_80, %broadcast_in_dim3A_82, %select_n3A_67 : vector<1024x1024xi1>, vector<1024x1024xf32>
    %reduce_min3A_84 = arith.constant dense<0x7F800000> : vector<1024xf32>
    %reduce_min3A_85 = vector.multi_reduction <minimumf>, %select_n3A_83, %reduce_min3A_84 [1] : vector<1024x1024xf32> to vector<1024xf32>
    %broadcast_in_dim3A_86 = vector.shape_cast %reduce_min3A_85 : vector<1024xf32> to vector<1024x1xf32>
    %eq3A_87 = vector.broadcast %broadcast_in_dim3A_86 : vector<1024x1xf32> to vector<1024x1024xf32>
    %eq3A_88 = arith.cmpf oeq, %select_n3A_83, %eq3A_87 : vector<1024x1024xf32>
    %jit3A_89 = arith.constant 1.024000e+03 : f32
    %broadcast_in_dim3A_90 = vector.broadcast %jit3A_89 : f32 to vector<1024x1024xf32>
    %select_n3A_91 = arith.select %eq3A_88, %convert_element_type3A, %broadcast_in_dim3A_90 : vector<1024x1024xi1>, vector<1024x1024xf32>
    %reduce_min3A_92 = arith.constant dense<0x7F800000> : vector<1024xf32>
    %reduce_min3A_93 = vector.multi_reduction <minimumf>, %select_n3A_91, %reduce_min3A_92 [1] : vector<1024x1024xf32> to vector<1024xf32>
    %broadcast_in_dim3A_94 = vector.shape_cast %reduce_min3A_93 : vector<1024xf32> to vector<1024x1xf32>
    %eq3A_95 = vector.broadcast %broadcast_in_dim3A_94 : vector<1024x1xf32> to vector<1024x1024xf32>
    %eq3A_96 = arith.cmpf oeq, %convert_element_type3A, %eq3A_95 : vector<1024x1024xf32>
    %jit3A_97 = arith.constant 0x7F800000 : f32
    %broadcast_in_dim3A_98 = vector.broadcast %jit3A_97 : f32 to vector<1024x1024xf32>
    %select_n3A_99 = arith.select %eq3A_96, %broadcast_in_dim3A_98, %select_n3A_83 : vector<1024x1024xi1>, vector<1024x1024xf32>
    %reduce_min3A_100 = arith.constant dense<0x7F800000> : vector<1024xf32>
    %reduce_min3A_101 = vector.multi_reduction <minimumf>, %select_n3A_99, %reduce_min3A_100 [1] : vector<1024x1024xf32> to vector<1024xf32>
    %broadcast_in_dim3A_102 = vector.shape_cast %reduce_min3A_101 : vector<1024xf32> to vector<1024x1xf32>
    %eq3A_103 = vector.broadcast %broadcast_in_dim3A_102 : vector<1024x1xf32> to vector<1024x1024xf32>
    %eq3A_104 = arith.cmpf oeq, %select_n3A_99, %eq3A_103 : vector<1024x1024xf32>
    %jit3A_105 = arith.constant 1.024000e+03 : f32
    %broadcast_in_dim3A_106 = vector.broadcast %jit3A_105 : f32 to vector<1024x1024xf32>
    %select_n3A_107 = arith.select %eq3A_104, %convert_element_type3A, %broadcast_in_dim3A_106 : vector<1024x1024xi1>, vector<1024x1024xf32>
    %reduce_min3A_108 = arith.constant dense<0x7F800000> : vector<1024xf32>
    %reduce_min3A_109 = vector.multi_reduction <minimumf>, %select_n3A_107, %reduce_min3A_108 [1] : vector<1024x1024xf32> to vector<1024xf32>
    %broadcast_in_dim3A_110 = vector.shape_cast %reduce_min3A_109 : vector<1024xf32> to vector<1024x1xf32>
    %eq3A_111 = vector.broadcast %broadcast_in_dim3A_110 : vector<1024x1xf32> to vector<1024x1024xf32>
    %eq3A_112 = arith.cmpf oeq, %convert_element_type3A, %eq3A_111 : vector<1024x1024xf32>
    %jit3A_113 = arith.constant 0x7F800000 : f32
    %broadcast_in_dim3A_114 = vector.broadcast %jit3A_113 : f32 to vector<1024x1024xf32>
    %select_n3A_115 = arith.select %eq3A_112, %broadcast_in_dim3A_114, %select_n3A_99 : vector<1024x1024xi1>, vector<1024x1024xf32>
    %reduce_min3A_116 = arith.constant dense<0x7F800000> : vector<1024xf32>
    %reduce_min3A_117 = vector.multi_reduction <minimumf>, %select_n3A_115, %reduce_min3A_116 [1] : vector<1024x1024xf32> to vector<1024xf32>
    %broadcast_in_dim3A_118 = vector.shape_cast %reduce_min3A_117 : vector<1024xf32> to vector<1024x1xf32>
    %eq3A_119 = vector.broadcast %broadcast_in_dim3A_118 : vector<1024x1xf32> to vector<1024x1024xf32>
    %eq3A_120 = arith.cmpf oeq, %select_n3A_115, %eq3A_119 : vector<1024x1024xf32>
    %jit3A_121 = arith.constant 1.024000e+03 : f32
    %broadcast_in_dim3A_122 = vector.broadcast %jit3A_121 : f32 to vector<1024x1024xf32>
    %select_n3A_123 = arith.select %eq3A_120, %convert_element_type3A, %broadcast_in_dim3A_122 : vector<1024x1024xi1>, vector<1024x1024xf32>
    %reduce_min3A_124 = arith.constant dense<0x7F800000> : vector<1024xf32>
    %reduce_min3A_125 = vector.multi_reduction <minimumf>, %select_n3A_123, %reduce_min3A_124 [1] : vector<1024x1024xf32> to vector<1024xf32>
    %broadcast_in_dim3A_126 = vector.shape_cast %reduce_min3A_125 : vector<1024xf32> to vector<1024x1xf32>
    %eq3A_127 = vector.broadcast %broadcast_in_dim3A_126 : vector<1024x1xf32> to vector<1024x1024xf32>
    %eq3A_128 = arith.cmpf oeq, %convert_element_type3A, %eq3A_127 : vector<1024x1024xf32>
    %jit3A_129 = arith.constant 0x7F800000 : f32
    %broadcast_in_dim3A_130 = vector.broadcast %jit3A_129 : f32 to vector<1024x1024xf32>
    %select_n3A_131 = arith.select %eq3A_128, %broadcast_in_dim3A_130, %select_n3A_115 : vector<1024x1024xi1>, vector<1024x1024xf32>
    %reduce_min3A_132 = arith.constant dense<0x7F800000> : vector<1024xf32>
    %reduce_min3A_133 = vector.multi_reduction <minimumf>, %select_n3A_131, %reduce_min3A_132 [1] : vector<1024x1024xf32> to vector<1024xf32>
    %broadcast_in_dim3A_134 = vector.shape_cast %reduce_min3A_133 : vector<1024xf32> to vector<1024x1xf32>
    %eq3A_135 = vector.broadcast %broadcast_in_dim3A_134 : vector<1024x1xf32> to vector<1024x1024xf32>
    %eq3A_136 = arith.cmpf oeq, %select_n3A_131, %eq3A_135 : vector<1024x1024xf32>
    %jit3A_137 = arith.constant 1.024000e+03 : f32
    %broadcast_in_dim3A_138 = vector.broadcast %jit3A_137 : f32 to vector<1024x1024xf32>
    %select_n3A_139 = arith.select %eq3A_136, %convert_element_type3A, %broadcast_in_dim3A_138 : vector<1024x1024xi1>, vector<1024x1024xf32>
    %reduce_min3A_140 = arith.constant dense<0x7F800000> : vector<1024xf32>
    %reduce_min3A_141 = vector.multi_reduction <minimumf>, %select_n3A_139, %reduce_min3A_140 [1] : vector<1024x1024xf32> to vector<1024xf32>
    %broadcast_in_dim3A_142 = vector.shape_cast %reduce_min3A_141 : vector<1024xf32> to vector<1024x1xf32>
    %eq3A_143 = vector.broadcast %broadcast_in_dim3A_142 : vector<1024x1xf32> to vector<1024x1024xf32>
    %eq3A_144 = arith.cmpf oeq, %convert_element_type3A, %eq3A_143 : vector<1024x1024xf32>
    %jit3A_145 = arith.constant 0x7F800000 : f32
    %broadcast_in_dim3A_146 = vector.broadcast %jit3A_145 : f32 to vector<1024x1024xf32>
    %select_n3A_147 = arith.select %eq3A_144, %broadcast_in_dim3A_146, %select_n3A_131 : vector<1024x1024xi1>, vector<1024x1024xf32>
    %reduce_min3A_148 = arith.constant dense<0x7F800000> : vector<1024xf32>
    %reduce_min3A_149 = vector.multi_reduction <minimumf>, %select_n3A_147, %reduce_min3A_148 [1] : vector<1024x1024xf32> to vector<1024xf32>
    %broadcast_in_dim3A_150 = vector.shape_cast %reduce_min3A_149 : vector<1024xf32> to vector<1024x1xf32>
    %eq3A_151 = vector.broadcast %broadcast_in_dim3A_150 : vector<1024x1xf32> to vector<1024x1024xf32>
    %eq3A_152 = arith.cmpf oeq, %select_n3A_147, %eq3A_151 : vector<1024x1024xf32>
    %jit3A_153 = arith.constant 1.024000e+03 : f32
    %broadcast_in_dim3A_154 = vector.broadcast %jit3A_153 : f32 to vector<1024x1024xf32>
    %select_n3A_155 = arith.select %eq3A_152, %convert_element_type3A, %broadcast_in_dim3A_154 : vector<1024x1024xi1>, vector<1024x1024xf32>
    %reduce_min3A_156 = arith.constant dense<0x7F800000> : vector<1024xf32>
    %reduce_min3A_157 = vector.multi_reduction <minimumf>, %select_n3A_155, %reduce_min3A_156 [1] : vector<1024x1024xf32> to vector<1024xf32>
    %broadcast_in_dim3A_158 = vector.shape_cast %reduce_min3A_157 : vector<1024xf32> to vector<1024x1xf32>
    %concatenate3A = tpu.concatenate %broadcast_in_dim3A_46, %broadcast_in_dim3A_62, %broadcast_in_dim3A_78, %broadcast_in_dim3A_94, %broadcast_in_dim3A_110, %broadcast_in_dim3A_126, %broadcast_in_dim3A_142, %broadcast_in_dim3A_158 in 1 : vector<1024x1xf32>, vector<1024x1xf32>, vector<1024x1xf32>, vector<1024x1xf32>, vector<1024x1xf32>, vector<1024x1xf32>, vector<1024x1xf32>, vector<1024x1xf32> -> vector<1024x8xf32>
    %convert_element_type3A_159 = arith.fptosi %concatenate3A : vector<1024x8xf32> to vector<1024x8xi32>
    %swap3A = arith.constant 0 : index
    %swap3A_160 = arith.constant 0 : index
    %swap3A_161 = arith.constant 0 : index
    %swap3A_162 = vector.load %arg12[%swap3A, %swap3A_160, %swap3A_161] : memref<1x1024x8xi32, #tpu.memory_space<vmem>>, vector<1x1024x8xi32>
    %swap3A_163 = vector.shape_cast %swap3A_162 : vector<1x1024x8xi32> to vector<1024x8xi32>
    %swap3A_164 = vector.shape_cast %convert_element_type3A_159 : vector<1024x8xi32> to vector<1x1024x8xi32>
    tpu.vector_store %arg12[%swap3A, %swap3A_160, %swap3A_161], %swap3A_164 {strides = array<i32>} : memref<1x1024x8xi32, #tpu.memory_space<vmem>>, vector<1x1024x8xi32>,
    %transpose3A_165 = tpu.transpose %concatenate3A, [1, 0] : vector<1024x8xf32> -> vector<8x1024xf32>
    %mul3A_166 = arith.constant 1024 : i32
    %mul3A_167 = arith.muli %arg0, %mul3A_166 : i32
    %convert_element_type3A_168 = arith.sitofp %mul3A_167 : i32 to f32
    %add3A_169 = vector.broadcast %convert_element_type3A_168 : f32 to vector<8x1024xf32>
    %add3A_170 = arith.addf %transpose3A_165, %add3A_169 : vector<8x1024xf32>
    %convert_element_type3A_171 = arith.fptosi %add3A_170 : vector<8x1024xf32> to vector<8x1024xi32>
    %swap3A_172 = arith.constant 0 : index
    %swap3A_173 = arith.constant 0 : index
    %swap3A_174 = vector.load %arg13[%swap3A_172, %swap3A_173] : memref<8x1024xi32, #tpu.memory_space<vmem>>, vector<8x1024xi32>
    tpu.vector_store %arg13[%swap3A_172, %swap3A_173], %convert_element_type3A_171 {strides = array<i32>} : memref<8x1024xi32, #tpu.memory_space<vmem>>, vector<8x1024xi32>,
    %get3A_175 = arith.constant 0 : index
    %get3A_176 = arith.constant 0 : index
    %get3A_177 = arith.constant 0 : index
    %get3A_178 = vector.load %arg3[%get3A_175, %get3A_176, %get3A_177] : memref<1x1024x320xf32, #tpu.memory_space<vmem>>, vector<1x1024x320xf32>
    %get3A_179 = vector.shape_cast %get3A_178 : vector<1x1024x320xf32> to vector<1024x320xf32>
    %get3A_180 = arith.constant 0 : index
    %get3A_181 = arith.constant 0 : index
    %get3A_182 = vector.load %arg8[%get3A_180, %get3A_181] : memref<256x3xf32, #tpu.memory_space<vmem>>, vector<256x3xf32>
    %dot_general3A = arith.constant dense<0.000000e+00> : vector<1024x256xf32>
    %dot_general3A_183 = tpu.matmul %get3A_4, %get3A_182, %dot_general3A {dimension_numbers = #tpu.dot_dimension_numbers<[1], [1], [0], [0], [0, 0, 1, 0], [], []>, transpose_lhs_hint = false} : vector<1024x3xf32>, vector<256x3xf32>, vector<1024x256xf32> -> vector<1024x256xf32>
    %mul3A_184 = arith.constant 0.199999958 : f32
    %mul3A_185 = vector.broadcast %mul3A_184 : f32 to vector<1024x256xf32>
    %mul3A_186 = arith.mulf %dot_general3A_183, %mul3A_185 : vector<1024x256xf32>
    %get3A_187 = arith.constant 0 : index
    %get3A_188 = arith.constant 0 : index
    %get3A_189 = arith.constant 0 : index
    %get3A_190 = vector.load %arg4[%get3A_187, %get3A_188, %get3A_189] : memref<1x1024x3xf32, #tpu.memory_space<vmem>>, vector<1x1024x3xf32>
    %get3A_191 = vector.shape_cast %get3A_190 : vector<1x1024x3xf32> to vector<1024x3xf32>
    %get3A_192 = arith.constant 0 : index
    %get3A_193 = arith.constant 0 : index
    %get3A_194 = vector.load %arg9[%get3A_192, %get3A_193] : memref<256x3xf32, #tpu.memory_space<vmem>>, vector<256x3xf32>
    %dot_general3A_195 = arith.constant dense<0.000000e+00> : vector<1024x256xf32>
    %dot_general3A_196 = tpu.matmul %get3A_191, %get3A_194, %dot_general3A_195 {dimension_numbers = #tpu.dot_dimension_numbers<[1], [1], [0], [0], [0, 0, 1, 0], [], []>, transpose_lhs_hint = false} : vector<1024x3xf32>, vector<256x3xf32>, vector<1024x256xf32> -> vector<1024x256xf32>
    %mul3A_197 = arith.constant 5.000000e-01 : f32
    %mul3A_198 = vector.broadcast %mul3A_197 : f32 to vector<1024x256xf32>
    %mul3A_199 = arith.mulf %dot_general3A_196, %mul3A_198 : vector<1024x256xf32>
    %add3A_200 = arith.addf %mul3A_186, %mul3A_199 : vector<1024x256xf32>
    %get3A_201 = arith.constant 0 : index
    %get3A_202 = arith.constant 0 : index
    %get3A_203 = arith.constant 0 : index
    %get3A_204 = vector.load %arg5[%get3A_201, %get3A_202, %get3A_203] : memref<1x1x256xf32, #tpu.memory_space<vmem>>, vector<1x1x256xf32>
    %get3A_205 = vector.shape_cast %get3A_204 : vector<1x1x256xf32> to vector<1x256xf32>
    %get3A_206 = arith.constant 0 : index
    %get3A_207 = arith.constant 0 : index
    %get3A_208 = vector.load %arg10[%get3A_206, %get3A_207] : memref<256x256xf32, #tpu.memory_space<vmem>>, vector<256x256xf32>
    %dot_general3A_209 = arith.constant dense<0.000000e+00> : vector<1x256xf32>
    %dot_general3A_210 = tpu.matmul %get3A_205, %get3A_208, %dot_general3A_209 {dimension_numbers = #tpu.dot_dimension_numbers<[1], [1], [0], [0], [0, 0, 1, 0], [], []>, transpose_lhs_hint = false} : vector<1x256xf32>, vector<256x256xf32>, vector<1x256xf32> -> vector<1x256xf32>
    %get3A_211 = arith.constant 0 : index
    %get3A_212 = arith.constant 0 : index
    %get3A_213 = vector.load %arg6[%get3A_211, %get3A_212] : memref<256x320xf32, #tpu.memory_space<vmem>>, vector<256x320xf32>
    %dot_general3A_214 = arith.constant dense<0.000000e+00> : vector<1024x256xf32>
    %dot_general3A_215 = tpu.matmul %get3A_179, %get3A_213, %dot_general3A_214 {dimension_numbers = #tpu.dot_dimension_numbers<[1], [1], [0], [0], [0, 0, 1, 0], [], []>, transpose_lhs_hint = false} : vector<1024x320xf32>, vector<256x320xf32>, vector<1024x256xf32> -> vector<1024x256xf32>
    %add3A_216 = vector.broadcast %dot_general3A_210 : vector<1x256xf32> to vector<1024x256xf32>
    %add3A_217 = arith.addf %dot_general3A_215, %add3A_216 : vector<1024x256xf32>
    %get3A_218 = arith.constant 0 : index
    %get3A_219 = arith.constant 0 : index
    %get3A_220 = vector.load %arg11[%get3A_218, %get3A_219] : memref<1x256xf32, #tpu.memory_space<vmem>>, vector<1x256xf32>
    %add3A_221 = vector.broadcast %get3A_220 : vector<1x256xf32> to vector<1024x256xf32>
    %add3A_222 = arith.addf %add3A_217, %add3A_221 : vector<1024x256xf32>
    %add3A_223 = arith.addf %add3A_222, %add3A_200 : vector<1024x256xf32>
    %swap3A_224 = arith.constant 0 : index
    %swap3A_225 = arith.constant 0 : index
    %swap3A_226 = arith.constant 0 : index
    %swap3A_227 = vector.load %arg14[%swap3A_224, %swap3A_225, %swap3A_226] : memref<1x1024x256xf32, #tpu.memory_space<vmem>>, vector<1x1024x256xf32>
    %swap3A_228 = vector.shape_cast %swap3A_227 : vector<1x1024x256xf32> to vector<1024x256xf32>
    %swap3A_229 = vector.shape_cast %add3A_223 : vector<1024x256xf32> to vector<1x1024x256xf32>
    tpu.vector_store %arg14[%swap3A_224, %swap3A_225, %swap3A_226], %swap3A_229 {strides = array<i32>} : memref<1x1024x256xf32, #tpu.memory_space<vmem>>, vector<1x1024x256xf32>,
    %get3A_230 = arith.constant 0 : index
    %get3A_231 = arith.constant 0 : index
    %get3A_232 = vector.load %arg7[%get3A_230, %get3A_231] : memref<256x320xf32, #tpu.memory_space<vmem>>, vector<256x320xf32>
    %dot_general3A_233 = arith.constant dense<0.000000e+00> : vector<1024x256xf32>
    %dot_general3A_234 = tpu.matmul %get3A_179, %get3A_232, %dot_general3A_233 {dimension_numbers = #tpu.dot_dimension_numbers<[1], [1], [0], [0], [0, 0, 1, 0], [], []>, transpose_lhs_hint = false} : vector<1024x320xf32>, vector<256x320xf32>, vector<1024x256xf32> -> vector<1024x256xf32>
    %sub3A_235 = arith.subf %dot_general3A_234, %add3A_200 : vector<1024x256xf32>
    %bitcast_convert_type3A = tpu.bitcast %sub3A_235 : vector<1024x256xf32> -> vector<1024x256xi32>
    %add3A_236 = arith.constant 32767 : i32
    %add3A_237 = vector.broadcast %add3A_236 : i32 to vector<1024x256xi32>
    %add3A_238 = arith.addi %bitcast_convert_type3A, %add3A_237 : vector<1024x256xi32>
    %shift_right_logical3A = arith.constant 16 : i32
    %shift_right_logical3A_239 = vector.broadcast %shift_right_logical3A : i32 to vector<1024x256xi32>
    %shift_right_logical3A_240 = arith.shrui %bitcast_convert_type3A, %shift_right_logical3A_239 : vector<1024x256xi32>
    %and3A = arith.constant 1 : i32
    %and3A_241 = vector.broadcast %and3A : i32 to vector<1024x256xi32>
    %and3A_242 = arith.andi %shift_right_logical3A_240, %and3A_241 : vector<1024x256xi32>
    %add3A_243 = arith.addi %add3A_238, %and3A_242 : vector<1024x256xi32>
    %shift_right_logical3A_244 = arith.constant 16 : i32
    %shift_right_logical3A_245 = vector.broadcast %shift_right_logical3A_244 : i32 to vector<1024x256xi32>
    %shift_right_logical3A_246 = arith.shrui %add3A_243, %shift_right_logical3A_245 : vector<1024x256xi32>
    %slice3A_247 = vector.extract_strided_slice %shift_right_logical3A_246 {offsets = [0, 0], sizes = [1024, 128], strides = [1, 1]} : vector<1024x256xi32> to vector<1024x128xi32>
    %slice3A_248 = vector.extract_strided_slice %shift_right_logical3A_246 {offsets = [0, 128], sizes = [1024, 128], strides = [1, 1]} : vector<1024x256xi32> to vector<1024x128xi32>
    %shift_left3A = arith.constant 16 : i32
    %shift_left3A_249 = vector.broadcast %shift_left3A : i32 to vector<1024x128xi32>
    %shift_left3A_250 = arith.shli %slice3A_248, %shift_left3A_249 : vector<1024x128xi32>
    %or3A = arith.ori %slice3A_247, %shift_left3A_250 : vector<1024x128xi32>
    %swap3A_251 = arith.constant 0 : index
    %swap3A_252 = arith.constant 0 : index
    %swap3A_253 = arith.constant 0 : index
    %swap3A_254 = vector.load %arg15[%swap3A_251, %swap3A_252, %swap3A_253] : memref<1x1024x128xi32, #tpu.memory_space<vmem>>, vector<1x1024x128xi32>
    %swap3A_255 = vector.shape_cast %swap3A_254 : vector<1x1024x128xi32> to vector<1024x128xi32>
    %swap3A_256 = vector.shape_cast %or3A : vector<1024x128xi32> to vector<1x1024x128xi32>
    tpu.vector_store %arg15[%swap3A_251, %swap3A_252, %swap3A_253], %swap3A_256 {strides = array<i32>} : memref<1x1024x128xi32, #tpu.memory_space<vmem>>, vector<1x1024x128xi32>,
    return
  }
  func.func @transform_0(%arg0: i32, %arg1: i32) -> (i32, i32, i32) {
    %c0_i32 = arith.constant 0 : i32
    %c0_i32_0 = arith.constant 0 : i32
    %c0_i32_1 = arith.constant 0 : i32
    return %arg0, %c0_i32, %c0_i32_0 : i32, i32, i32
  }
  func.func @transform_1(%arg0: i32, %arg1: i32) -> (i32, i32, i32) {
    %c0_i32 = arith.constant 0 : i32
    %c0_i32_0 = arith.constant 0 : i32
    return %arg0, %arg1, %c0_i32 : i32, i32, i32
  }
  func.func @transform_2(%arg0: i32, %arg1: i32) -> (i32, i32, i32) {
    %c0_i32 = arith.constant 0 : i32
    %c0_i32_0 = arith.constant 0 : i32
    return %arg0, %arg1, %c0_i32 : i32, i32, i32
  }
  func.func @transform_3(%arg0: i32, %arg1: i32) -> (i32, i32, i32) {
    %c0_i32 = arith.constant 0 : i32
    %c0_i32_0 = arith.constant 0 : i32
    %c0_i32_1 = arith.constant 0 : i32
    return %arg0, %c0_i32, %c0_i32_0 : i32, i32, i32
  }
  func.func @transform_4(%arg0: i32, %arg1: i32) -> (i32, i32) {
    %c0_i32 = arith.constant 0 : i32
    %c0_i32_0 = arith.constant 0 : i32
    %c0_i32_1 = arith.constant 0 : i32
    return %c0_i32, %c0_i32_0 : i32, i32
  }
  func.func @transform_5(%arg0: i32, %arg1: i32) -> (i32, i32) {
    %c0_i32 = arith.constant 0 : i32
    %c0_i32_0 = arith.constant 0 : i32
    %c0_i32_1 = arith.constant 0 : i32
    return %c0_i32, %c0_i32_0 : i32, i32
  }
  func.func @transform_6(%arg0: i32, %arg1: i32) -> (i32, i32) {
    %c0_i32 = arith.constant 0 : i32
    %c0_i32_0 = arith.constant 0 : i32
    %c0_i32_1 = arith.constant 0 : i32
    return %c0_i32, %c0_i32_0 : i32, i32
  }
  func.func @transform_7(%arg0: i32, %arg1: i32) -> (i32, i32) {
    %c0_i32 = arith.constant 0 : i32
    %c0_i32_0 = arith.constant 0 : i32
    %c0_i32_1 = arith.constant 0 : i32
    return %c0_i32, %c0_i32_0 : i32, i32
  }
  func.func @transform_8(%arg0: i32, %arg1: i32) -> (i32, i32) {
    %c0_i32 = arith.constant 0 : i32
    %c0_i32_0 = arith.constant 0 : i32
    %c0_i32_1 = arith.constant 0 : i32
    return %c0_i32, %c0_i32_0 : i32, i32
  }
  func.func @transform_9(%arg0: i32, %arg1: i32) -> (i32, i32) {
    %c0_i32 = arith.constant 0 : i32
    %c0_i32_0 = arith.constant 0 : i32
    %c0_i32_1 = arith.constant 0 : i32
    return %c0_i32, %c0_i32_0 : i32, i32
  }
  func.func @transform_10(%arg0: i32, %arg1: i32) -> (i32, i32, i32) {
    %c0_i32 = arith.constant 0 : i32
    %c0_i32_0 = arith.constant 0 : i32
    return %arg0, %arg1, %c0_i32 : i32, i32, i32
  }
  func.func @transform_11(%arg0: i32, %arg1: i32) -> (i32, i32) {
    %mul3A = arith.constant 1 : i32
    %mul3A_0 = arith.muli %arg0, %mul3A : i32
    %add3A = arith.addi %mul3A_0, %arg1 : i32
    %c0_i32 = arith.constant 0 : i32
    %c0_i32_1 = arith.constant 0 : i32
    return %c0_i32, %add3A : i32, i32
  }
  func.func @transform_12(%arg0: i32, %arg1: i32) -> (i32, i32, i32) {
    %c0_i32 = arith.constant 0 : i32
    %c0_i32_0 = arith.constant 0 : i32
    return %arg0, %arg1, %c0_i32 : i32, i32, i32
  }
  func.func @transform_13(%arg0: i32, %arg1: i32) -> (i32, i32, i32) {
    %c0_i32 = arith.constant 0 : i32
    %c0_i32_0 = arith.constant 0 : i32
    return %arg0, %arg1, %c0_i32 : i32, i32, i32
  }
}

module attributes {stable_mosaic.version = 14 : i64} {
  func.func @_stage3_body(%arg0: i32, %arg1: i32, %arg2: memref<1x1024x256xf32, #tpu.memory_space<vmem>>, %arg3: memref<8x1024x128xi32, #tpu.memory_space<vmem>>, %arg4: memref<1x1024x8xi32, #tpu.memory_space<vmem>>, %arg5: memref<1x1024x320xf32, #tpu.memory_space<vmem>>, %arg6: memref<1x256xf32, #tpu.memory_space<vmem>>, %arg7: memref<1x8xf32, #tpu.memory_space<vmem>>, %arg8: memref<1x1024x320xf32, #tpu.memory_space<vmem>>, %arg9: memref<1x1024x8xf32, #tpu.memory_space<vmem>>) attributes {dimension_semantics = [#tpu.dimension_semantics<arbitrary>, #tpu.dimension_semantics<arbitrary>], iteration_bounds = array<i64: 4, 1>, scalar_prefetch = 0 : i64, scratch_operands = 0 : i64, tpu.core_type = #tpu.core_type<tc>, window_params = [{transform_indices = @transform_0, window_bounds = array<i64: 1, 1024, 256>}, {transform_indices = @transform_1, window_bounds = array<i64: 8, 1024, 128>}, {transform_indices = @transform_2, window_bounds = array<i64: 1, 1024, 8>}, {transform_indices = @transform_3, window_bounds = array<i64: 1, 1024, 320>}, {pipeline_mode = #tpu.pipeline_mode<synchronous>, transform_indices = @transform_4, window_bounds = array<i64: 1, 256>}, {pipeline_mode = #tpu.pipeline_mode<synchronous>, transform_indices = @transform_5, window_bounds = array<i64: 1, 8>}, {transform_indices = @transform_6, window_bounds = array<i64: 1, 1024, 320>}, {transform_indices = @transform_7, window_bounds = array<i64: 1, 1024, 8>}]} {
    %get3A = arith.constant 0 : index
    %get3A_0 = arith.constant 0 : index
    %get3A_1 = arith.constant 0 : index
    %get3A_2 = vector.load %arg2[%get3A, %get3A_0, %get3A_1] : memref<1x1024x256xf32, #tpu.memory_space<vmem>>, vector<1x1024x256xf32>
    %get3A_3 = vector.shape_cast %get3A_2 : vector<1x1024x256xf32> to vector<1024x256xf32>
    %get3A_4 = arith.constant 0 : index
    %get3A_5 = arith.constant 0 : index
    %get3A_6 = arith.constant 0 : index
    %get3A_7 = vector.load %arg3[%get3A_4, %get3A_5, %get3A_6] : memref<8x1024x128xi32, #tpu.memory_space<vmem>>, vector<1x1024x128xi32>
    %get3A_8 = vector.shape_cast %get3A_7 : vector<1x1024x128xi32> to vector<1024x128xi32>
    %shift_left3A = arith.constant 16 : i32
    %shift_left3A_9 = vector.broadcast %shift_left3A : i32 to vector<1024x128xi32>
    %shift_left3A_10 = arith.shli %get3A_8, %shift_left3A_9 : vector<1024x128xi32>
    %bitcast_convert_type3A = tpu.bitcast %shift_left3A_10 : vector<1024x128xi32> -> vector<1024x128xf32>
    %and3A = arith.constant -65536 : i32
    %and3A_11 = vector.broadcast %and3A : i32 to vector<1024x128xi32>
    %and3A_12 = arith.andi %get3A_8, %and3A_11 : vector<1024x128xi32>
    %bitcast_convert_type3A_13 = tpu.bitcast %and3A_12 : vector<1024x128xi32> -> vector<1024x128xf32>
    %concatenate3A = tpu.concatenate %bitcast_convert_type3A, %bitcast_convert_type3A_13 in 1 : vector<1024x128xf32>, vector<1024x128xf32> -> vector<1024x256xf32>
    %add3A = arith.addf %get3A_3, %concatenate3A : vector<1024x256xf32>
    %max3A = arith.constant 0.000000e+00 : f32
    %max3A_14 = vector.broadcast %max3A : f32 to vector<1024x256xf32>
    %max3A_15 = arith.maximumf %add3A, %max3A_14 : vector<1024x256xf32>
    %get3A_16 = arith.constant 0 : index
    %get3A_17 = arith.constant 0 : index
    %get3A_18 = vector.load %arg6[%get3A_16, %get3A_17] : memref<1x256xf32, #tpu.memory_space<vmem>>, vector<1x256xf32>
    %dot_general3A = arith.constant dense<0.000000e+00> : vector<1024x1xf32>
    %dot_general3A_19 = tpu.matmul %max3A_15, %get3A_18, %dot_general3A {dimension_numbers = #tpu.dot_dimension_numbers<[1], [1], [0], [0], [0, 0, 1, 0], [], []>, transpose_lhs_hint = false} : vector<1024x256xf32>, vector<1x256xf32>, vector<1024x1xf32> -> vector<1024x1xf32>
    %get3A_20 = arith.constant 1 : index
    %get3A_21 = arith.constant 0 : index
    %get3A_22 = arith.constant 0 : index
    %get3A_23 = vector.load %arg3[%get3A_20, %get3A_21, %get3A_22] : memref<8x1024x128xi32, #tpu.memory_space<vmem>>, vector<1x1024x128xi32>
    %get3A_24 = vector.shape_cast %get3A_23 : vector<1x1024x128xi32> to vector<1024x128xi32>
    %shift_left3A_25 = arith.constant 16 : i32
    %shift_left3A_26 = vector.broadcast %shift_left3A_25 : i32 to vector<1024x128xi32>
    %shift_left3A_27 = arith.shli %get3A_24, %shift_left3A_26 : vector<1024x128xi32>
    %bitcast_convert_type3A_28 = tpu.bitcast %shift_left3A_27 : vector<1024x128xi32> -> vector<1024x128xf32>
    %and3A_29 = arith.constant -65536 : i32
    %and3A_30 = vector.broadcast %and3A_29 : i32 to vector<1024x128xi32>
    %and3A_31 = arith.andi %get3A_24, %and3A_30 : vector<1024x128xi32>
    %bitcast_convert_type3A_32 = tpu.bitcast %and3A_31 : vector<1024x128xi32> -> vector<1024x128xf32>
    %concatenate3A_33 = tpu.concatenate %bitcast_convert_type3A_28, %bitcast_convert_type3A_32 in 1 : vector<1024x128xf32>, vector<1024x128xf32> -> vector<1024x256xf32>
    %add3A_34 = arith.addf %get3A_3, %concatenate3A_33 : vector<1024x256xf32>
    %max3A_35 = arith.constant 0.000000e+00 : f32
    %max3A_36 = vector.broadcast %max3A_35 : f32 to vector<1024x256xf32>
    %max3A_37 = arith.maximumf %add3A_34, %max3A_36 : vector<1024x256xf32>
    %get3A_38 = arith.constant 0 : index
    %get3A_39 = arith.constant 0 : index
    %get3A_40 = vector.load %arg6[%get3A_38, %get3A_39] : memref<1x256xf32, #tpu.memory_space<vmem>>, vector<1x256xf32>
    %dot_general3A_41 = arith.constant dense<0.000000e+00> : vector<1024x1xf32>
    %dot_general3A_42 = tpu.matmul %max3A_37, %get3A_40, %dot_general3A_41 {dimension_numbers = #tpu.dot_dimension_numbers<[1], [1], [0], [0], [0, 0, 1, 0], [], []>, transpose_lhs_hint = false} : vector<1024x256xf32>, vector<1x256xf32>, vector<1024x1xf32> -> vector<1024x1xf32>
    %get3A_43 = arith.constant 2 : index
    %get3A_44 = arith.constant 0 : index
    %get3A_45 = arith.constant 0 : index
    %get3A_46 = vector.load %arg3[%get3A_43, %get3A_44, %get3A_45] : memref<8x1024x128xi32, #tpu.memory_space<vmem>>, vector<1x1024x128xi32>
    %get3A_47 = vector.shape_cast %get3A_46 : vector<1x1024x128xi32> to vector<1024x128xi32>
    %shift_left3A_48 = arith.constant 16 : i32
    %shift_left3A_49 = vector.broadcast %shift_left3A_48 : i32 to vector<1024x128xi32>
    %shift_left3A_50 = arith.shli %get3A_47, %shift_left3A_49 : vector<1024x128xi32>
    %bitcast_convert_type3A_51 = tpu.bitcast %shift_left3A_50 : vector<1024x128xi32> -> vector<1024x128xf32>
    %and3A_52 = arith.constant -65536 : i32
    %and3A_53 = vector.broadcast %and3A_52 : i32 to vector<1024x128xi32>
    %and3A_54 = arith.andi %get3A_47, %and3A_53 : vector<1024x128xi32>
    %bitcast_convert_type3A_55 = tpu.bitcast %and3A_54 : vector<1024x128xi32> -> vector<1024x128xf32>
    %concatenate3A_56 = tpu.concatenate %bitcast_convert_type3A_51, %bitcast_convert_type3A_55 in 1 : vector<1024x128xf32>, vector<1024x128xf32> -> vector<1024x256xf32>
    %add3A_57 = arith.addf %get3A_3, %concatenate3A_56 : vector<1024x256xf32>
    %max3A_58 = arith.constant 0.000000e+00 : f32
    %max3A_59 = vector.broadcast %max3A_58 : f32 to vector<1024x256xf32>
    %max3A_60 = arith.maximumf %add3A_57, %max3A_59 : vector<1024x256xf32>
    %get3A_61 = arith.constant 0 : index
    %get3A_62 = arith.constant 0 : index
    %get3A_63 = vector.load %arg6[%get3A_61, %get3A_62] : memref<1x256xf32, #tpu.memory_space<vmem>>, vector<1x256xf32>
    %dot_general3A_64 = arith.constant dense<0.000000e+00> : vector<1024x1xf32>
    %dot_general3A_65 = tpu.matmul %max3A_60, %get3A_63, %dot_general3A_64 {dimension_numbers = #tpu.dot_dimension_numbers<[1], [1], [0], [0], [0, 0, 1, 0], [], []>, transpose_lhs_hint = false} : vector<1024x256xf32>, vector<1x256xf32>, vector<1024x1xf32> -> vector<1024x1xf32>
    %get3A_66 = arith.constant 3 : index
    %get3A_67 = arith.constant 0 : index
    %get3A_68 = arith.constant 0 : index
    %get3A_69 = vector.load %arg3[%get3A_66, %get3A_67, %get3A_68] : memref<8x1024x128xi32, #tpu.memory_space<vmem>>, vector<1x1024x128xi32>
    %get3A_70 = vector.shape_cast %get3A_69 : vector<1x1024x128xi32> to vector<1024x128xi32>
    %shift_left3A_71 = arith.constant 16 : i32
    %shift_left3A_72 = vector.broadcast %shift_left3A_71 : i32 to vector<1024x128xi32>
    %shift_left3A_73 = arith.shli %get3A_70, %shift_left3A_72 : vector<1024x128xi32>
    %bitcast_convert_type3A_74 = tpu.bitcast %shift_left3A_73 : vector<1024x128xi32> -> vector<1024x128xf32>
    %and3A_75 = arith.constant -65536 : i32
    %and3A_76 = vector.broadcast %and3A_75 : i32 to vector<1024x128xi32>
    %and3A_77 = arith.andi %get3A_70, %and3A_76 : vector<1024x128xi32>
    %bitcast_convert_type3A_78 = tpu.bitcast %and3A_77 : vector<1024x128xi32> -> vector<1024x128xf32>
    %concatenate3A_79 = tpu.concatenate %bitcast_convert_type3A_74, %bitcast_convert_type3A_78 in 1 : vector<1024x128xf32>, vector<1024x128xf32> -> vector<1024x256xf32>
    %add3A_80 = arith.addf %get3A_3, %concatenate3A_79 : vector<1024x256xf32>
    %max3A_81 = arith.constant 0.000000e+00 : f32
    %max3A_82 = vector.broadcast %max3A_81 : f32 to vector<1024x256xf32>
    %max3A_83 = arith.maximumf %add3A_80, %max3A_82 : vector<1024x256xf32>
    %get3A_84 = arith.constant 0 : index
    %get3A_85 = arith.constant 0 : index
    %get3A_86 = vector.load %arg6[%get3A_84, %get3A_85] : memref<1x256xf32, #tpu.memory_space<vmem>>, vector<1x256xf32>
    %dot_general3A_87 = arith.constant dense<0.000000e+00> : vector<1024x1xf32>
    %dot_general3A_88 = tpu.matmul %max3A_83, %get3A_86, %dot_general3A_87 {dimension_numbers = #tpu.dot_dimension_numbers<[1], [1], [0], [0], [0, 0, 1, 0], [], []>, transpose_lhs_hint = false} : vector<1024x256xf32>, vector<1x256xf32>, vector<1024x1xf32> -> vector<1024x1xf32>
    %get3A_89 = arith.constant 4 : index
    %get3A_90 = arith.constant 0 : index
    %get3A_91 = arith.constant 0 : index
    %get3A_92 = vector.load %arg3[%get3A_89, %get3A_90, %get3A_91] : memref<8x1024x128xi32, #tpu.memory_space<vmem>>, vector<1x1024x128xi32>
    %get3A_93 = vector.shape_cast %get3A_92 : vector<1x1024x128xi32> to vector<1024x128xi32>
    %shift_left3A_94 = arith.constant 16 : i32
    %shift_left3A_95 = vector.broadcast %shift_left3A_94 : i32 to vector<1024x128xi32>
    %shift_left3A_96 = arith.shli %get3A_93, %shift_left3A_95 : vector<1024x128xi32>
    %bitcast_convert_type3A_97 = tpu.bitcast %shift_left3A_96 : vector<1024x128xi32> -> vector<1024x128xf32>
    %and3A_98 = arith.constant -65536 : i32
    %and3A_99 = vector.broadcast %and3A_98 : i32 to vector<1024x128xi32>
    %and3A_100 = arith.andi %get3A_93, %and3A_99 : vector<1024x128xi32>
    %bitcast_convert_type3A_101 = tpu.bitcast %and3A_100 : vector<1024x128xi32> -> vector<1024x128xf32>
    %concatenate3A_102 = tpu.concatenate %bitcast_convert_type3A_97, %bitcast_convert_type3A_101 in 1 : vector<1024x128xf32>, vector<1024x128xf32> -> vector<1024x256xf32>
    %add3A_103 = arith.addf %get3A_3, %concatenate3A_102 : vector<1024x256xf32>
    %max3A_104 = arith.constant 0.000000e+00 : f32
    %max3A_105 = vector.broadcast %max3A_104 : f32 to vector<1024x256xf32>
    %max3A_106 = arith.maximumf %add3A_103, %max3A_105 : vector<1024x256xf32>
    %get3A_107 = arith.constant 0 : index
    %get3A_108 = arith.constant 0 : index
    %get3A_109 = vector.load %arg6[%get3A_107, %get3A_108] : memref<1x256xf32, #tpu.memory_space<vmem>>, vector<1x256xf32>
    %dot_general3A_110 = arith.constant dense<0.000000e+00> : vector<1024x1xf32>
    %dot_general3A_111 = tpu.matmul %max3A_106, %get3A_109, %dot_general3A_110 {dimension_numbers = #tpu.dot_dimension_numbers<[1], [1], [0], [0], [0, 0, 1, 0], [], []>, transpose_lhs_hint = false} : vector<1024x256xf32>, vector<1x256xf32>, vector<1024x1xf32> -> vector<1024x1xf32>
    %get3A_112 = arith.constant 5 : index
    %get3A_113 = arith.constant 0 : index
    %get3A_114 = arith.constant 0 : index
    %get3A_115 = vector.load %arg3[%get3A_112, %get3A_113, %get3A_114] : memref<8x1024x128xi32, #tpu.memory_space<vmem>>, vector<1x1024x128xi32>
    %get3A_116 = vector.shape_cast %get3A_115 : vector<1x1024x128xi32> to vector<1024x128xi32>
    %shift_left3A_117 = arith.constant 16 : i32
    %shift_left3A_118 = vector.broadcast %shift_left3A_117 : i32 to vector<1024x128xi32>
    %shift_left3A_119 = arith.shli %get3A_116, %shift_left3A_118 : vector<1024x128xi32>
    %bitcast_convert_type3A_120 = tpu.bitcast %shift_left3A_119 : vector<1024x128xi32> -> vector<1024x128xf32>
    %and3A_121 = arith.constant -65536 : i32
    %and3A_122 = vector.broadcast %and3A_121 : i32 to vector<1024x128xi32>
    %and3A_123 = arith.andi %get3A_116, %and3A_122 : vector<1024x128xi32>
    %bitcast_convert_type3A_124 = tpu.bitcast %and3A_123 : vector<1024x128xi32> -> vector<1024x128xf32>
    %concatenate3A_125 = tpu.concatenate %bitcast_convert_type3A_120, %bitcast_convert_type3A_124 in 1 : vector<1024x128xf32>, vector<1024x128xf32> -> vector<1024x256xf32>
    %add3A_126 = arith.addf %get3A_3, %concatenate3A_125 : vector<1024x256xf32>
    %max3A_127 = arith.constant 0.000000e+00 : f32
    %max3A_128 = vector.broadcast %max3A_127 : f32 to vector<1024x256xf32>
    %max3A_129 = arith.maximumf %add3A_126, %max3A_128 : vector<1024x256xf32>
    %get3A_130 = arith.constant 0 : index
    %get3A_131 = arith.constant 0 : index
    %get3A_132 = vector.load %arg6[%get3A_130, %get3A_131] : memref<1x256xf32, #tpu.memory_space<vmem>>, vector<1x256xf32>
    %dot_general3A_133 = arith.constant dense<0.000000e+00> : vector<1024x1xf32>
    %dot_general3A_134 = tpu.matmul %max3A_129, %get3A_132, %dot_general3A_133 {dimension_numbers = #tpu.dot_dimension_numbers<[1], [1], [0], [0], [0, 0, 1, 0], [], []>, transpose_lhs_hint = false} : vector<1024x256xf32>, vector<1x256xf32>, vector<1024x1xf32> -> vector<1024x1xf32>
    %get3A_135 = arith.constant 6 : index
    %get3A_136 = arith.constant 0 : index
    %get3A_137 = arith.constant 0 : index
    %get3A_138 = vector.load %arg3[%get3A_135, %get3A_136, %get3A_137] : memref<8x1024x128xi32, #tpu.memory_space<vmem>>, vector<1x1024x128xi32>
    %get3A_139 = vector.shape_cast %get3A_138 : vector<1x1024x128xi32> to vector<1024x128xi32>
    %shift_left3A_140 = arith.constant 16 : i32
    %shift_left3A_141 = vector.broadcast %shift_left3A_140 : i32 to vector<1024x128xi32>
    %shift_left3A_142 = arith.shli %get3A_139, %shift_left3A_141 : vector<1024x128xi32>
    %bitcast_convert_type3A_143 = tpu.bitcast %shift_left3A_142 : vector<1024x128xi32> -> vector<1024x128xf32>
    %and3A_144 = arith.constant -65536 : i32
    %and3A_145 = vector.broadcast %and3A_144 : i32 to vector<1024x128xi32>
    %and3A_146 = arith.andi %get3A_139, %and3A_145 : vector<1024x128xi32>
    %bitcast_convert_type3A_147 = tpu.bitcast %and3A_146 : vector<1024x128xi32> -> vector<1024x128xf32>
    %concatenate3A_148 = tpu.concatenate %bitcast_convert_type3A_143, %bitcast_convert_type3A_147 in 1 : vector<1024x128xf32>, vector<1024x128xf32> -> vector<1024x256xf32>
    %add3A_149 = arith.addf %get3A_3, %concatenate3A_148 : vector<1024x256xf32>
    %max3A_150 = arith.constant 0.000000e+00 : f32
    %max3A_151 = vector.broadcast %max3A_150 : f32 to vector<1024x256xf32>
    %max3A_152 = arith.maximumf %add3A_149, %max3A_151 : vector<1024x256xf32>
    %get3A_153 = arith.constant 0 : index
    %get3A_154 = arith.constant 0 : index
    %get3A_155 = vector.load %arg6[%get3A_153, %get3A_154] : memref<1x256xf32, #tpu.memory_space<vmem>>, vector<1x256xf32>
    %dot_general3A_156 = arith.constant dense<0.000000e+00> : vector<1024x1xf32>
    %dot_general3A_157 = tpu.matmul %max3A_152, %get3A_155, %dot_general3A_156 {dimension_numbers = #tpu.dot_dimension_numbers<[1], [1], [0], [0], [0, 0, 1, 0], [], []>, transpose_lhs_hint = false} : vector<1024x256xf32>, vector<1x256xf32>, vector<1024x1xf32> -> vector<1024x1xf32>
    %get3A_158 = arith.constant 7 : index
    %get3A_159 = arith.constant 0 : index
    %get3A_160 = arith.constant 0 : index
    %get3A_161 = vector.load %arg3[%get3A_158, %get3A_159, %get3A_160] : memref<8x1024x128xi32, #tpu.memory_space<vmem>>, vector<1x1024x128xi32>
    %get3A_162 = vector.shape_cast %get3A_161 : vector<1x1024x128xi32> to vector<1024x128xi32>
    %shift_left3A_163 = arith.constant 16 : i32
    %shift_left3A_164 = vector.broadcast %shift_left3A_163 : i32 to vector<1024x128xi32>
    %shift_left3A_165 = arith.shli %get3A_162, %shift_left3A_164 : vector<1024x128xi32>
    %bitcast_convert_type3A_166 = tpu.bitcast %shift_left3A_165 : vector<1024x128xi32> -> vector<1024x128xf32>
    %and3A_167 = arith.constant -65536 : i32
    %and3A_168 = vector.broadcast %and3A_167 : i32 to vector<1024x128xi32>
    %and3A_169 = arith.andi %get3A_162, %and3A_168 : vector<1024x128xi32>
    %bitcast_convert_type3A_170 = tpu.bitcast %and3A_169 : vector<1024x128xi32> -> vector<1024x128xf32>
    %concatenate3A_171 = tpu.concatenate %bitcast_convert_type3A_166, %bitcast_convert_type3A_170 in 1 : vector<1024x128xf32>, vector<1024x128xf32> -> vector<1024x256xf32>
    %add3A_172 = arith.addf %get3A_3, %concatenate3A_171 : vector<1024x256xf32>
    %max3A_173 = arith.constant 0.000000e+00 : f32
    %max3A_174 = vector.broadcast %max3A_173 : f32 to vector<1024x256xf32>
    %max3A_175 = arith.maximumf %add3A_172, %max3A_174 : vector<1024x256xf32>
    %get3A_176 = arith.constant 0 : index
    %get3A_177 = arith.constant 0 : index
    %get3A_178 = vector.load %arg6[%get3A_176, %get3A_177] : memref<1x256xf32, #tpu.memory_space<vmem>>, vector<1x256xf32>
    %dot_general3A_179 = arith.constant dense<0.000000e+00> : vector<1024x1xf32>
    %dot_general3A_180 = tpu.matmul %max3A_175, %get3A_178, %dot_general3A_179 {dimension_numbers = #tpu.dot_dimension_numbers<[1], [1], [0], [0], [0, 0, 1, 0], [], []>, transpose_lhs_hint = false} : vector<1024x256xf32>, vector<1x256xf32>, vector<1024x1xf32> -> vector<1024x1xf32>
    %concatenate3A_181 = tpu.concatenate %dot_general3A_19, %dot_general3A_42, %dot_general3A_65, %dot_general3A_88, %dot_general3A_111, %dot_general3A_134, %dot_general3A_157, %dot_general3A_180 in 1 : vector<1024x1xf32>, vector<1024x1xf32>, vector<1024x1xf32>, vector<1024x1xf32>, vector<1024x1xf32>, vector<1024x1xf32>, vector<1024x1xf32>, vector<1024x1xf32> -> vector<1024x8xf32>
    %get3A_182 = arith.constant 0 : index
    %get3A_183 = arith.constant 0 : index
    %get3A_184 = vector.load %arg7[%get3A_182, %get3A_183] : memref<1x8xf32, #tpu.memory_space<vmem>>, vector<1x8xf32>
    %add3A_185 = vector.broadcast %get3A_184 : vector<1x8xf32> to vector<1024x8xf32>
    %add3A_186 = arith.addf %concatenate3A_181, %add3A_185 : vector<1024x8xf32>
    %reduce_max3A = arith.constant dense<0xFF800000> : vector<1024xf32>
    %reduce_max3A_187 = vector.multi_reduction <maximumf>, %add3A_186, %reduce_max3A [1] : vector<1024x8xf32> to vector<1024xf32>
    %broadcast_in_dim3A = vector.shape_cast %reduce_max3A_187 : vector<1024xf32> to vector<1024x1xf32>
    %sub3A = vector.broadcast %broadcast_in_dim3A : vector<1024x1xf32> to vector<1024x8xf32>
    %sub3A_188 = arith.subf %add3A_186, %sub3A : vector<1024x8xf32>
    %exp3A = math.exp %sub3A_188 : vector<1024x8xf32>
    %reduce_sum3A = arith.constant dense<0.000000e+00> : vector<1024xf32>
    %reduce_sum3A_189 = vector.multi_reduction <add>, %exp3A, %reduce_sum3A [1] : vector<1024x8xf32> to vector<1024xf32>
    %broadcast_in_dim3A_190 = vector.shape_cast %reduce_sum3A_189 : vector<1024xf32> to vector<1024x1xf32>
    %div3A = vector.broadcast %broadcast_in_dim3A_190 : vector<1024x1xf32> to vector<1024x8xf32>
    %div3A_191 = arith.divf %exp3A, %div3A : vector<1024x8xf32>
    %get3A_192 = arith.constant 0 : index
    %get3A_193 = arith.constant 0 : index
    %get3A_194 = arith.constant 0 : index
    %get3A_195 = vector.load %arg4[%get3A_192, %get3A_193, %get3A_194] : memref<1x1024x8xi32, #tpu.memory_space<vmem>>, vector<1x1024x8xi32>
    %get3A_196 = vector.shape_cast %get3A_195 : vector<1x1024x8xi32> to vector<1024x8xi32>
    %iota3A = tpu.iota {dimensions = array<i32: 1>} : vector<1024x1024xi32>
    %broadcast_in_dim3A_197 = arith.constant 0.000000e+00 : f32
    %broadcast_in_dim3A_198 = vector.broadcast %broadcast_in_dim3A_197 : f32 to vector<1024x1024xf32>
    %slice3A = vector.extract_strided_slice %get3A_196 {offsets = [0, 0], sizes = [1024, 1], strides = [1, 1]} : vector<1024x8xi32> to vector<1024x1xi32>
    %eq3A = vector.broadcast %slice3A : vector<1024x1xi32> to vector<1024x1024xi32>
    %eq3A_199 = arith.cmpi eq, %iota3A, %eq3A : vector<1024x1024xi32>
    %slice3A_200 = vector.extract_strided_slice %div3A_191 {offsets = [0, 0], sizes = [1024, 1], strides = [1, 1]} : vector<1024x8xf32> to vector<1024x1xf32>
    %broadcast_in_dim3A_201 = vector.shape_cast %slice3A_200 : vector<1024x1xf32> to vector<1024x1xf32>
    %broadcast_in_dim3A_202 = vector.broadcast %broadcast_in_dim3A_201 : vector<1024x1xf32> to vector<1024x1024xf32>
    %select_n3A = arith.select %eq3A_199, %broadcast_in_dim3A_202, %broadcast_in_dim3A_198 : vector<1024x1024xi1>, vector<1024x1024xf32>
    %slice3A_203 = vector.extract_strided_slice %get3A_196 {offsets = [0, 1], sizes = [1024, 1], strides = [1, 1]} : vector<1024x8xi32> to vector<1024x1xi32>
    %eq3A_204 = vector.broadcast %slice3A_203 : vector<1024x1xi32> to vector<1024x1024xi32>
    %eq3A_205 = arith.cmpi eq, %iota3A, %eq3A_204 : vector<1024x1024xi32>
    %slice3A_206 = vector.extract_strided_slice %div3A_191 {offsets = [0, 1], sizes = [1024, 1], strides = [1, 1]} : vector<1024x8xf32> to vector<1024x1xf32>
    %broadcast_in_dim3A_207 = vector.shape_cast %slice3A_206 : vector<1024x1xf32> to vector<1024x1xf32>
    %broadcast_in_dim3A_208 = vector.broadcast %broadcast_in_dim3A_207 : vector<1024x1xf32> to vector<1024x1024xf32>
    %select_n3A_209 = arith.select %eq3A_205, %broadcast_in_dim3A_208, %select_n3A : vector<1024x1024xi1>, vector<1024x1024xf32>
    %slice3A_210 = vector.extract_strided_slice %get3A_196 {offsets = [0, 2], sizes = [1024, 1], strides = [1, 1]} : vector<1024x8xi32> to vector<1024x1xi32>
    %eq3A_211 = vector.broadcast %slice3A_210 : vector<1024x1xi32> to vector<1024x1024xi32>
    %eq3A_212 = arith.cmpi eq, %iota3A, %eq3A_211 : vector<1024x1024xi32>
    %slice3A_213 = vector.extract_strided_slice %div3A_191 {offsets = [0, 2], sizes = [1024, 1], strides = [1, 1]} : vector<1024x8xf32> to vector<1024x1xf32>
    %broadcast_in_dim3A_214 = vector.shape_cast %slice3A_213 : vector<1024x1xf32> to vector<1024x1xf32>
    %broadcast_in_dim3A_215 = vector.broadcast %broadcast_in_dim3A_214 : vector<1024x1xf32> to vector<1024x1024xf32>
    %select_n3A_216 = arith.select %eq3A_212, %broadcast_in_dim3A_215, %select_n3A_209 : vector<1024x1024xi1>, vector<1024x1024xf32>
    %slice3A_217 = vector.extract_strided_slice %get3A_196 {offsets = [0, 3], sizes = [1024, 1], strides = [1, 1]} : vector<1024x8xi32> to vector<1024x1xi32>
    %eq3A_218 = vector.broadcast %slice3A_217 : vector<1024x1xi32> to vector<1024x1024xi32>
    %eq3A_219 = arith.cmpi eq, %iota3A, %eq3A_218 : vector<1024x1024xi32>
    %slice3A_220 = vector.extract_strided_slice %div3A_191 {offsets = [0, 3], sizes = [1024, 1], strides = [1, 1]} : vector<1024x8xf32> to vector<1024x1xf32>
    %broadcast_in_dim3A_221 = vector.shape_cast %slice3A_220 : vector<1024x1xf32> to vector<1024x1xf32>
    %broadcast_in_dim3A_222 = vector.broadcast %broadcast_in_dim3A_221 : vector<1024x1xf32> to vector<1024x1024xf32>
    %select_n3A_223 = arith.select %eq3A_219, %broadcast_in_dim3A_222, %select_n3A_216 : vector<1024x1024xi1>, vector<1024x1024xf32>
    %slice3A_224 = vector.extract_strided_slice %get3A_196 {offsets = [0, 4], sizes = [1024, 1], strides = [1, 1]} : vector<1024x8xi32> to vector<1024x1xi32>
    %eq3A_225 = vector.broadcast %slice3A_224 : vector<1024x1xi32> to vector<1024x1024xi32>
    %eq3A_226 = arith.cmpi eq, %iota3A, %eq3A_225 : vector<1024x1024xi32>
    %slice3A_227 = vector.extract_strided_slice %div3A_191 {offsets = [0, 4], sizes = [1024, 1], strides = [1, 1]} : vector<1024x8xf32> to vector<1024x1xf32>
    %broadcast_in_dim3A_228 = vector.shape_cast %slice3A_227 : vector<1024x1xf32> to vector<1024x1xf32>
    %broadcast_in_dim3A_229 = vector.broadcast %broadcast_in_dim3A_228 : vector<1024x1xf32> to vector<1024x1024xf32>
    %select_n3A_230 = arith.select %eq3A_226, %broadcast_in_dim3A_229, %select_n3A_223 : vector<1024x1024xi1>, vector<1024x1024xf32>
    %slice3A_231 = vector.extract_strided_slice %get3A_196 {offsets = [0, 5], sizes = [1024, 1], strides = [1, 1]} : vector<1024x8xi32> to vector<1024x1xi32>
    %eq3A_232 = vector.broadcast %slice3A_231 : vector<1024x1xi32> to vector<1024x1024xi32>
    %eq3A_233 = arith.cmpi eq, %iota3A, %eq3A_232 : vector<1024x1024xi32>
    %slice3A_234 = vector.extract_strided_slice %div3A_191 {offsets = [0, 5], sizes = [1024, 1], strides = [1, 1]} : vector<1024x8xf32> to vector<1024x1xf32>
    %broadcast_in_dim3A_235 = vector.shape_cast %slice3A_234 : vector<1024x1xf32> to vector<1024x1xf32>
    %broadcast_in_dim3A_236 = vector.broadcast %broadcast_in_dim3A_235 : vector<1024x1xf32> to vector<1024x1024xf32>
    %select_n3A_237 = arith.select %eq3A_233, %broadcast_in_dim3A_236, %select_n3A_230 : vector<1024x1024xi1>, vector<1024x1024xf32>
    %slice3A_238 = vector.extract_strided_slice %get3A_196 {offsets = [0, 6], sizes = [1024, 1], strides = [1, 1]} : vector<1024x8xi32> to vector<1024x1xi32>
    %eq3A_239 = vector.broadcast %slice3A_238 : vector<1024x1xi32> to vector<1024x1024xi32>
    %eq3A_240 = arith.cmpi eq, %iota3A, %eq3A_239 : vector<1024x1024xi32>
    %slice3A_241 = vector.extract_strided_slice %div3A_191 {offsets = [0, 6], sizes = [1024, 1], strides = [1, 1]} : vector<1024x8xf32> to vector<1024x1xf32>
    %broadcast_in_dim3A_242 = vector.shape_cast %slice3A_241 : vector<1024x1xf32> to vector<1024x1xf32>
    %broadcast_in_dim3A_243 = vector.broadcast %broadcast_in_dim3A_242 : vector<1024x1xf32> to vector<1024x1024xf32>
    %select_n3A_244 = arith.select %eq3A_240, %broadcast_in_dim3A_243, %select_n3A_237 : vector<1024x1024xi1>, vector<1024x1024xf32>
    %slice3A_245 = vector.extract_strided_slice %get3A_196 {offsets = [0, 7], sizes = [1024, 1], strides = [1, 1]} : vector<1024x8xi32> to vector<1024x1xi32>
    %eq3A_246 = vector.broadcast %slice3A_245 : vector<1024x1xi32> to vector<1024x1024xi32>
    %eq3A_247 = arith.cmpi eq, %iota3A, %eq3A_246 : vector<1024x1024xi32>
    %slice3A_248 = vector.extract_strided_slice %div3A_191 {offsets = [0, 7], sizes = [1024, 1], strides = [1, 1]} : vector<1024x8xf32> to vector<1024x1xf32>
    %broadcast_in_dim3A_249 = vector.shape_cast %slice3A_248 : vector<1024x1xf32> to vector<1024x1xf32>
    %broadcast_in_dim3A_250 = vector.broadcast %broadcast_in_dim3A_249 : vector<1024x1xf32> to vector<1024x1024xf32>
    %select_n3A_251 = arith.select %eq3A_247, %broadcast_in_dim3A_250, %select_n3A_244 : vector<1024x1024xi1>, vector<1024x1024xf32>
    %get3A_252 = arith.constant 0 : index
    %get3A_253 = arith.constant 0 : index
    %get3A_254 = arith.constant 0 : index
    %get3A_255 = vector.load %arg5[%get3A_252, %get3A_253, %get3A_254] : memref<1x1024x320xf32, #tpu.memory_space<vmem>>, vector<1x1024x320xf32>
    %get3A_256 = vector.shape_cast %get3A_255 : vector<1x1024x320xf32> to vector<1024x320xf32>
    %dot_general3A_257 = arith.constant dense<0.000000e+00> : vector<1024x320xf32>
    %dot_general3A_258 = tpu.matmul %select_n3A_251, %get3A_256, %dot_general3A_257 {dimension_numbers = #tpu.dot_dimension_numbers<[1], [0], [0], [1], [0, 0, 1, 1], [], []>, transpose_lhs_hint = false} : vector<1024x1024xf32>, vector<1024x320xf32>, vector<1024x320xf32> -> vector<1024x320xf32>
    %mul3A = arith.constant 1024 : i32
    %mul3A_259 = arith.muli %arg1, %mul3A : i32
    %get3A_260 = arith.constant 0 : index
    %get3A_261 = arith.index_cast %mul3A_259 : i32 to index
    %get3A_262 = arith.constant 0 : index
    %get3A_263 = vector.load %arg5[%get3A_260, %get3A_261, %get3A_262] : memref<1x1024x320xf32, #tpu.memory_space<vmem>>, vector<1x1024x320xf32>
    %get3A_264 = vector.shape_cast %get3A_263 : vector<1x1024x320xf32> to vector<1024x320xf32>
    %add3A_265 = arith.addf %get3A_264, %dot_general3A_258 : vector<1024x320xf32>
    %swap3A = arith.constant 0 : index
    %swap3A_266 = arith.constant 0 : index
    %swap3A_267 = arith.constant 0 : index
    %swap3A_268 = vector.load %arg8[%swap3A, %swap3A_266, %swap3A_267] : memref<1x1024x320xf32, #tpu.memory_space<vmem>>, vector<1x1024x320xf32>
    %swap3A_269 = vector.shape_cast %swap3A_268 : vector<1x1024x320xf32> to vector<1024x320xf32>
    %swap3A_270 = vector.shape_cast %add3A_265 : vector<1024x320xf32> to vector<1x1024x320xf32>
    tpu.vector_store %arg8[%swap3A, %swap3A_266, %swap3A_267], %swap3A_270 {strides = array<i32>} : memref<1x1024x320xf32, #tpu.memory_space<vmem>>, vector<1x1024x320xf32>,
    %swap3A_271 = arith.constant 0 : index
    %swap3A_272 = arith.constant 0 : index
    %swap3A_273 = arith.constant 0 : index
    %swap3A_274 = vector.load %arg9[%swap3A_271, %swap3A_272, %swap3A_273] : memref<1x1024x8xf32, #tpu.memory_space<vmem>>, vector<1x1024x8xf32>
    %swap3A_275 = vector.shape_cast %swap3A_274 : vector<1x1024x8xf32> to vector<1024x8xf32>
    %swap3A_276 = vector.shape_cast %div3A_191 : vector<1024x8xf32> to vector<1x1024x8xf32>
    tpu.vector_store %arg9[%swap3A_271, %swap3A_272, %swap3A_273], %swap3A_276 {strides = array<i32>} : memref<1x1024x8xf32, #tpu.memory_space<vmem>>, vector<1x1024x8xf32>,
    return
  }
  func.func @transform_0(%arg0: i32, %arg1: i32) -> (i32, i32, i32) {
    %c0_i32 = arith.constant 0 : i32
    %c0_i32_0 = arith.constant 0 : i32
    return %arg0, %arg1, %c0_i32 : i32, i32, i32
  }
  func.func @transform_1(%arg0: i32, %arg1: i32) -> (i32, i32, i32) {
    %mul3A = arith.constant 1 : i32
    %mul3A_0 = arith.muli %arg0, %mul3A : i32
    %add3A = arith.addi %mul3A_0, %arg1 : i32
    %c0_i32 = arith.constant 0 : i32
    %c0_i32_1 = arith.constant 0 : i32
    %c0_i32_2 = arith.constant 0 : i32
    return %c0_i32, %add3A, %c0_i32_1 : i32, i32, i32
  }
  func.func @transform_2(%arg0: i32, %arg1: i32) -> (i32, i32, i32) {
    %c0_i32 = arith.constant 0 : i32
    %c0_i32_0 = arith.constant 0 : i32
    return %arg0, %arg1, %c0_i32 : i32, i32, i32
  }
  func.func @transform_3(%arg0: i32, %arg1: i32) -> (i32, i32, i32) {
    %c0_i32 = arith.constant 0 : i32
    %c0_i32_0 = arith.constant 0 : i32
    %c0_i32_1 = arith.constant 0 : i32
    return %arg0, %c0_i32, %c0_i32_0 : i32, i32, i32
  }
  func.func @transform_4(%arg0: i32, %arg1: i32) -> (i32, i32) {
    %c0_i32 = arith.constant 0 : i32
    %c0_i32_0 = arith.constant 0 : i32
    %c0_i32_1 = arith.constant 0 : i32
    return %c0_i32, %c0_i32_0 : i32, i32
  }
  func.func @transform_5(%arg0: i32, %arg1: i32) -> (i32, i32) {
    %c0_i32 = arith.constant 0 : i32
    %c0_i32_0 = arith.constant 0 : i32
    %c0_i32_1 = arith.constant 0 : i32
    return %c0_i32, %c0_i32_0 : i32, i32
  }
  func.func @transform_6(%arg0: i32, %arg1: i32) -> (i32, i32, i32) {
    %c0_i32 = arith.constant 0 : i32
    %c0_i32_0 = arith.constant 0 : i32
    return %arg0, %arg1, %c0_i32 : i32, i32, i32
  }
  func.func @transform_7(%arg0: i32, %arg1: i32) -> (i32, i32, i32) {
    %c0_i32 = arith.constant 0 : i32
    %c0_i32_0 = arith.constant 0 : i32
    return %arg0, %arg1, %c0_i32 : i32, i32, i32
  }
}

</mosaic_0001>

<sc_bundles>
// kernel: kernel.5.cloned.1.call-start
scs
__scs_entry_jumppad:
0x0: {  	(pc) =	sbr.rel $0x88, $3  }
0x1: {  	(tag) =	ssettag $0x0;
	lr =	simm.s32 $0x1  }
0x2: {  	[smem:$0x3F99] =	sst lr;
	_ =	strace $0xD0000000  }
0x3: {  	_ = 	snop  }
0x4: {  	_ = 	snop  }
0x5: {  	_ = 	snop  }
0x6: {  	_ = 	snop  }
0x7: {  	_ = 	snop  }
__scs_overlays_trampoline_lowered:
0x8: {  	[smem:$0x3FA8] =	sst s0  }
0x9: {  	[smem:$0x3FA9] =	sst s1  }
0xa: {  	[smem:$0x3FAA] =	sst s2  }
0xb: {  	[smem:$0x3FAB] =	sst s3  }
0xc: {  	[smem:$0x3FAC] =	sst s4  }
0xd: {  	[smem:$0x3FAD] =	sst s5  }
0xe: {  	[smem:$0x3FAE] =	sst s6  }
0xf: {  	[smem:$0x3FAF] =	sst s7  }
0x10: {  	[smem:$0x3FB0] =	sst s8  }
0x11: {  	[smem:$0x3FB1] =	sst s9;
	s0 =	simm.s32 @!p0 $0x0  }
0x12: {  	s1 =	sld [smem:$0x3F97];
	s0 =	simm.s32 @p0 $0x1  }
0x13: {  	[smem:$0x3FB2] =	sst s0;
	s0 =	simm.s32 @!p1 $0x0  }
0x14: {  	s2 =	sld [smem:$0x3F96];
	s0 =	simm.s32 @p1 $0x1  }
0x15: {  	[smem:$0x3FB3] =	sst s0;
	s0 =	simm.s32 @!p2 $0x0  }
0x16: {  	s3 =	sld [smem:$0x3FDB];
	s0 =	simm.s32 @p2 $0x1  }
0x17: {  	s4 =	simm.s32 $0x1BF5;
	[smem:$0x3FB5] =	sst s0  }
0x18: {  	s0 =	sld [smem:$0x3F98];
	_ =	swait.ge [sflag:s4], $0x0  }
0x19: {  	s7 =	sld [smem:$0x3F99]  }
0x1a: {  	s8 =	sadd.s32 $0xFFFFE003, lr  }
0x1b: {  	s9 =	sadd.s32 $0xFFFFFEF7, lr;
	s5 =	simm.s32 $0xFFFFFFFF;
	p2 =	slt.u32 s8, $0xFFFFF086  }
0x1c: {  	p1 =	slt.u32 s9, $0xF7A;
	s5 =	simm.s32 @!p2 $0x0  }
0x1d: {  	s5 =	simm.s32 @p1 $0x1;
	p0 =	seq.s32 s7, s2  }
0x1e: {  	s7 =	smul.u32 @!p0 $0xF7A, s2;
	p2 =	seq.s32 @!p0 s5, $0x0  }
0x1f: {  	s9 =	smul.u32 $0xF7A, s1;
	s8 =	simm.s32 @!p0 $0x1BF5;
	p2 =	por !p2, p0  }
0x20: {  	[sflag:s8] =	ssyncset.s32 @!p0 $0xFFFFF086;
	s6 =	sadd.s32 @!p0 s3, s7;
	s7 =	simm.s32 @!p0 $0x108  }
0x21: {  	s3 =	sadd.s32 s3, s9;
	s6 =	sadd.s32 @!p0 $0x88, s6;
	s7 =	simm.s32 @p2 $0x1082  }
0x22: {  	[simem:s7], [sflag:s8] =	dma.local @!p0 [hbm:s6], $0xF7A  }
0x23: {  	s9 =	sor.u32 $0xD0000000, s2;
	s6 =	simm.s32 $0x108;
	_ =	swait.ge @!p0 [sflag:s8], $0x0  }
0x24: {  	s3 =	sadd.s32 $0x88, s3;
	s6 =	simm.s32 @!p1 $0x1082;
	[sflag:s4] =	ssyncset.s32 $0xFFFFF086  }
0x25: {  	[simem:s6], [sflag:s4] =	dma.local [hbm:s3], $0xF7A  }
0x26: {  	[smem:$0x3F99] =	sst s1;
	(tag) =	ssettag s2;
	_ =	strace s9  }
0x27: {  	s1 =	sld [smem:$0x3FA9]  }
0x28: {  	s2 =	sld [smem:$0x3FAA]  }
0x29: {  	s4 =	sld [smem:$0x3FAC]  }
0x2a: {  	p0 =	seq.s32 s5, $0x0;
	s5 =	sld [smem:$0x3FAD]  }
0x2b: {  	s6 =	sld [smem:$0x3FAE]  }
0x2c: {  	s7 =	sld [smem:$0x3FAF]  }
0x2d: {  	s3 =	simm.s32 $0x108;
	s8 =	sld [smem:$0x3FB0]  }
0x2e: {  	s3 =	simm.s32 @!p0 $0x1082;
	s9 =	sld [smem:$0x3FB1]  }
0x2f: {  	lr =	sadd.s32 s0, s3;
	s0 =	sld [smem:$0x3FA8]  }
0x30: {  	s3 =	sld [smem:$0x3FAB]  }
0x31: {  	[smem:$0x3FB4] =	sst s10  }
0x32: {  	s10 =	sld [smem:$0x3FB2];
	_ =	sdelay $0x3  }
0x33: {  	p0 =	seq.s32 s10, $0x1;
	s10 =	sld [smem:$0x3FB4];
	_ =	sdelay $0x3  }
0x34: {  	[smem:$0x3FB4] =	sst s10  }
0x35: {  	s10 =	sld [smem:$0x3FB3];
	_ =	sdelay $0x3  }
0x36: {  	p1 =	seq.s32 s10, $0x1;
	s10 =	sld [smem:$0x3FB4];
	_ =	sdelay $0x3  }
0x37: {  	[smem:$0x3FB4] =	sst s10  }
0x38: {  	s10 =	sld [smem:$0x3FB5]  }
0x39: {  	_ = 	snop;
	(pc) =	sbr.ind lr, $3  }
0x3a: {  	_ = 	snop  }
0x3b: {  	_ = 	snop  }
0x3c: {  	p2 =	seq.s32 s10, $0x1;
	s10 =	sld [smem:$0x3FB4]  }
0x3d: {  	_ =	shalt  }
0x3e: {  	_ =	shalt  }
0x3f: {  	_ =	shalt  }
0x40: {  	_ =	shalt  }
0x41: {  	_ =	shalt  }
0x42: {  	_ =	shalt  }
0x43: {  	_ =	shalt  }
0x44: {  	_ =	shalt  }
0x45: {  	_ =	shalt  }
0x46: {  	_ =	shalt  }
0x47: {  	_ =	shalt  }
0x48: {  	_ =	shalt  }
0x49: {  	_ =	shalt  }
0x4a: {  	_ =	shalt  }
0x4b: {  	_ =	shalt  }
0x4c: {  	_ =	shalt  }
0x4d: {  	_ =	shalt  }
0x4e: {  	_ =	shalt  }
0x4f: {  	_ =	shalt  }
0x50: {  	_ =	shalt  }
0x51: {  	_ =	shalt  }
0x52: {  	_ =	shalt  }
0x53: {  	_ =	shalt  }
0x54: {  	_ =	shalt  }
0x55: {  	_ =	shalt  }
0x56: {  	_ =	shalt  }
0x57: {  	_ =	shalt  }
0x58: {  	_ =	shalt  }
0x59: {  	_ =	shalt  }
0x5a: {  	_ =	shalt  }
0x5b: {  	_ =	shalt  }
0x5c: {  	_ =	shalt  }
0x5d: {  	_ =	shalt  }
0x5e: {  	_ =	shalt  }
0x5f: {  	_ =	shalt  }
0x60: {  	_ =	shalt  }
0x61: {  	_ =	shalt  }
0x62: {  	_ =	shalt  }
0x63: {  	_ =	shalt  }
0x64: {  	_ =	shalt  }
0x65: {  	_ =	shalt  }
0x66: {  	_ =	shalt  }
0x67: {  	_ =	shalt  }
0x68: {  	_ =	shalt  }
0x69: {  	_ =	shalt  }
0x6a: {  	_ =	shalt  }
0x6b: {  	_ =	shalt  }
0x6c: {  	_ =	shalt  }
0x6d: {  	_ =	shalt  }
0x6e: {  	_ =	shalt  }
0x6f: {  	_ =	shalt  }
0x70: {  	_ =	shalt  }
0x71: {  	_ =	shalt  }
0x72: {  	_ =	shalt  }
0x73: {  	_ =	shalt  }
0x74: {  	_ =	shalt  }
0x75: {  	_ =	shalt  }
0x76: {  	_ =	shalt  }
0x77: {  	_ =	shalt  }
0x78: {  	_ =	shalt  }
0x79: {  	_ =	shalt  }
0x7a: {  	_ =	shalt  }
0x7b: {  	_ =	shalt  }
0x7c: {  	_ =	shalt  }
0x7d: {  	_ =	shalt  }
0x7e: {  	_ =	shalt  }
0x7f: {  	_ =	shalt  }
0x80: {  	_ =	shalt  }
0x81: {  	_ =	shalt  }
0x82: {  	_ =	shalt  }
0x83: {  	_ =	shalt  }
0x84: {  	_ =	shalt  }
0x85: {  	_ =	shalt  }
0x86: {  	_ =	shalt  }
0x87: {  	_ =	shalt  }
.Lfunc_end0:
.L_simem_size_0:
called_computation_lowered:
.L_overlay_start_0:
0x88: {  	s2 =	sld [smem:$0x3FD9]  }
0x89: {  	s3 =	sld [smem:$0x3FFE];
	_ =	sdelay $0x1  }
0x8a: {  	s1 =	srdreg.scid  }
0x8b: {  	s0 =	sand.u32 $0x1, s1  }
0x8c: {  	s14 =	sshll.u32 s0, $0xA;
	s2 =	sadd.s32 s3, s2  }
0x8d: {  	s2 =	sadd.s32 s2, s14  }
0x8e: {  	[smem:$0x3FC0] =	sst s2  }
0x8f: {  	_ = 	snop  }
0x90: {  	s2 =	sld [smem:$0x3FD0];
	_ =	sdelay $0x2  }
0x91: {  	s15 =	simm.s32 $0xA;
	s4 =	simm.s32 $0x10  }
0x92: {  	[smem:s4], [sflag:s15] =	dma.local [hbm:s2], $0x1  }
0x93: {  	_ =	swait.eq [sflag:s15], $0x1  }
0x94: {  	[sflag:s15] =	ssyncset.done $0x0  }
0x95: {  	s16 =	sld [smem:$0x10];
	[sflag:s15] =	ssyncadd.s32 $0xFFFFFFFF  }
0x96: {  	s17 =	sld [smem:$0x11];
	(tm) =	ssettm $0x1  }
0x97: {  	s18 =	sld [smem:$0x3FFB];
	_ =	sdelay $0x3  }
0x98: {  	_ =	strace s18  }
0x99: {  	s4 =	sld [smem:$0x3FFC];
	_ =	sdelay $0x3  }
0x9a: {  	_ =	strace s4  }
0x9b: {  	s4 =	sld [smem:$0x3FFD];
	_ =	sdelay $0x3  }
0x9c: {  	_ =	strace s4  }
0x9d: {  	_ =	strace $0x8FFFFFFF  }
0x9e: {  	s19 =	sld [smem:$0x3FDB];
	_ =	sdelay $0x1  }
0x9f: {  	s5 =	simm.s32 $_scs_section_size  }
0xa0: {  	s6 =	simm.s32 $_size__tile_overlayer_lowered;
	s7 =	simm.s32 $_tile_overlayer_lowered  }
0xa1: {  	s22 =	simm.s32 $0x1BFF;
	s21 =	sshll.u32 s7, $0x1;
	s4 =	sadd.s32 s5, s19  }
0xa2: {  	s8 =	simm.s32 $0x0;
	s20 =	sshll.u32 s6, $0x1;
	s6 =	sadd.s32 s21, s4  }
0xa3: {  	[timem:s8], [sflag:s22] =	dma.local [hbm:s6], s20  }
0xa4: {  	_ =	swait.ge [sflag:s22], s20  }
0xa5: {  	s5 =	ssub.s32 $0x0, s20;
	[sflag:s22] =	ssyncset.done $0x0  }
0xa6: {  	[sflag:s22] =	ssyncadd.s32 s5;
	_ =	sdelay $0x1  }
0xa7: {  	s23 =	simm.s32 $0x1B8B  }
0xa8: {  	_ =	swait.ge [sflag:s23], $0x1  }
0xa9: {  	[sflag:s23] =	ssyncset.done $0x0  }
0xaa: {  	s25 =	simm.s32 $0x1B8E;
	s24 =	sld [smem:$0x3FFE];
	[sflag:s23] =	ssyncadd.s32 $0xFFFFFFFF  }
0xab: {  	s26 =	simm.s32 $execute0_lowered;
	[smem:$0x3FD2] =	sst s25  }
0xac: {  	s6 =	sshll.u32 s26, $0x1;
	_ =	strace $0x80000046;
	[dreg:$0x1] =	wrdreg $0xFFFFFFFF  }
0xad: {  	s28 =	simm.s32 $_size_execute0_lowered;
	s4 =	sadd.s32 s4, s6;
	[dreg:$0x0] =	wrdreg $0x0  }
0xae: {  	s6 =	sshll.u32 s28, $0x1;
	[dreg:$0x2] =	wrdreg s4  }
0xaf: {  	[dreg:$0x3] =	wrdreg s6  }
0xb0: {  	[dreg:$0x4] =	wrdreg $0xC0  }
0xb1: {  	_ =	task [dreg:s8], $0x5FFFF  }
0xb2: {  	[dreg:$0x1] =	wrdreg $0xFFFFFFFF  }
0xb3: {  	[dreg:$0x0] =	wrdreg $0x60  }
0xb4: {  	[dreg:$0x2] =	wrdreg s17  }
0xb5: {  	[dreg:$0x3] =	wrdreg s16  }
0xb6: {  	[dreg:$0x4] =	wrdreg s24  }
0xb7: {  	[dreg:$0x5] =	wrdreg $0x9  }
0xb8: {  	_ =	task.clear_ibuf [dreg:s8], $0x6FFFF;
	_ =	strace $0x90000046  }
0xb9: {  	s29 =	simm.s32 $0x9;
	_ =	strace $0x80000048  }
0xba: {  	_ =	swait.ge [sflag:s29], $0x1  }
0xbb: {  	[sflag:s29] =	ssyncadd.s32 $0xFFFFFFFF  }
0xbc: {  	_ =	strace $0x90000048  }
0xbd: {  	_ =	sfence  }
0xbe: {  	s30 =	sld [smem:$0x0];
	_ =	sdelay $0x2  }
0xbf: {  	s31 =	sshll.u32 s1, $0xD;
	s1 =	sshrl.u32 s1, $0x2  }
0xc0: {  	s3 =	sand.u32 $0x4000, s31;
	s1 =	sadd.s32 s1, s30  }
0xc1: {  	s0 =	sor.u32 s3, s0;
	s1 =	sshll.u32 s1, $0x11  }
0xc2: {  	s0 =	sor.u32 s1, s0  }
0xc3: {  	s0 =	sadd.s32 $0x8F2B, s0  }
0xc4: {  	[sflag:s0] =	ssyncadd.remote.s32 $0x1  }
0xc5: {  	_ =	sfence.sel $0xFFFF  }
0xc6: {  	[dreg:$0x0] =	wrdreg $0xFFFFFFFF;
	(pc) =	sbr.abs _section_cstart, $3  }
0xc7: {  	[dreg:$0x1] =	wrdreg $0xFFFFFFFF  }
0xc8: {  	_ =	task.clear_ibuf [dreg:s8], $0x2FFFF;
	_ =	strace $0x9FFFFFFF  }
0xc9: {  	(tm) =	ssettm $0x7FFFFFFF  }
tec
execute0_lowered:
.L_overlay_start_1:
0x0: {  	(tag) =	ssettag $0x1  }
0x1: {  	s4 =	rddreg [dreg:$0x0]  }
0x2: {  	s2 =	rddreg [dreg:$0x1];
	s1 =	srdreg.scid  }
0x3: {  	s0 =	stileid.u32;
	s10 =	rddreg [dreg:$0x2];
	s7 =	simm.s32 $0x400  }
0x4: {  	s23 =	sand.u32 $0x1, s1;
	s3 =	sshll.u32 s0, $0x1;
	s1 =	rddreg [dreg:$0x3]  }
0x5: {  	s5 =	sshll.u32 s0, $0x3;
	s11 =	sor.u32 s23, s3;
	s3 =	simm.s32 $0x0  }
0x6: {  	s5 =	sand.u32 $0x70, s5;
	s6 =	sshll.u32 s11, $0xA;
	[smem:$0x7FF] =	sst s3  }
0x7: {  	s4 =	sadd.s32 s4, s5;
	s5 =	simm.s32 $0x80;
	s6 =	sand.u32 $0xC00, s6  }
0x8: {  	_ =	strace $0x80000047;
	s4 =	sadd.s32 s6, s4;
	s6 =	simm.s32 $0x2  }
0x9: {  	[tilespmem:s3], [sflag:$0x2] =	stream.strided.gather [hbm4b:s4+s5], $0x400, s7, s5, $0x38;
	[tilespmem:$0x8400] =	vst v63  }
0xa: {  	_ =	swait.ge [sflag:s6], $0x400  }
0xb: {  	[sflag:s6] =	ssyncset.done $0x0  }
0xc: {  	[sflag:s6] =	ssyncadd.s32 $0xFFFFFC00  }
0xd: {  	[tilespmem:s7], [sflag:$0x1] =	stream.indirect.gather [hbm4b:s2+s5], $0x80, s3, s5, $0xb8;
	[tilespmem:$0x8400] =	vst v63  }
0xe: {  	s8 =	simm.s32 $0x4400;
	s9 =	simm.s32 $0x1  }
0xf: {  	[tilespmem:s8], [sflag:$0x1] =	stream.indirect.gather [hbm4b:s2+s5], $0x80, s5, s5, $0xb8;
	[tilespmem:$0x8400] =	vst v63  }
0x10: {  	s11 =	sshll.u32 s11, $0xE;
	_ =	swait.ge [sflag:s9], $0x4000  }
0x11: {  	s24 =	sadd.s32 s11, s10;
	[sflag:s9] =	ssyncset.done $0x0  }
0x12: {  	s10 =	sadd.s32 $0x1A00, s24;
	[sflag:s9] =	ssyncadd.s32 $0xFFFFC000  }
0x13: {  	[hbm4b:s10+s3] =	stream.linear.scatter [tilespmem:s7], [sflag:$0x2], $0x4000, $0x38;
	[tilespmem:$0x8400] =	vst v63  }
0x14: {  	_ =	swait.ge [sflag:s6], $0x4000  }
0x15: {  	[sflag:s6] =	ssyncset.done $0x0  }
0x16: {  	s11 =	simm.s32 $0x100;
	[sflag:s6] =	ssyncadd.s32 $0xFFFFC000  }
0x17: {  	[tilespmem:s7], [sflag:$0x1] =	stream.indirect.gather [hbm4b:s2+s5], $0x80, s11, s5, $0xb8;
	[tilespmem:$0x8400] =	vst v63  }
0x18: {  	_ =	swait.ge [sflag:s9], $0x4000  }
0x19: {  	[sflag:s9] =	ssyncset.done $0x0  }
0x1a: {  	s12 =	sadd.s32 $0x2200, s24;
	[sflag:s9] =	ssyncadd.s32 $0xFFFFC000  }
0x1b: {  	[hbm4b:s12+s3] =	stream.linear.scatter [tilespmem:s8], [sflag:$0x2], $0x4000, $0x38;
	[tilespmem:$0x8400] =	vst v63  }
0x1c: {  	_ =	swait.ge [sflag:s6], $0x4000  }
0x1d: {  	[sflag:s6] =	ssyncset.done $0x0  }
0x1e: {  	s13 =	simm.s32 $0x180;
	[sflag:s6] =	ssyncadd.s32 $0xFFFFC000  }
0x1f: {  	[tilespmem:s8], [sflag:$0x1] =	stream.indirect.gather [hbm4b:s2+s5], $0x80, s13, s5, $0xb8;
	[tilespmem:$0x8400] =	vst v63  }
0x20: {  	_ =	swait.ge [sflag:s9], $0x4000  }
0x21: {  	[sflag:s9] =	ssyncset.done $0x0  }
0x22: {  	s14 =	sadd.s32 $0x2A00, s24;
	[sflag:s9] =	ssyncadd.s32 $0xFFFFC000  }
0x23: {  	[hbm4b:s14+s3] =	stream.linear.scatter [tilespmem:s7], [sflag:$0x2], $0x4000, $0x38;
	[tilespmem:$0x8400] =	vst v63  }
0x24: {  	_ =	swait.ge [sflag:s6], $0x4000  }
0x25: {  	[sflag:s6] =	ssyncset.done $0x0  }
0x26: {  	s15 =	simm.s32 $0x200;
	[sflag:s6] =	ssyncadd.s32 $0xFFFFC000  }
0x27: {  	[tilespmem:s7], [sflag:$0x1] =	stream.indirect.gather [hbm4b:s2+s5], $0x80, s15, s5, $0xb8;
	[tilespmem:$0x8400] =	vst v63  }
0x28: {  	_ =	swait.ge [sflag:s9], $0x4000  }
0x29: {  	[sflag:s9] =	ssyncset.done $0x0  }
0x2a: {  	s16 =	sadd.s32 $0x3200, s24;
	[sflag:s9] =	ssyncadd.s32 $0xFFFFC000  }
0x2b: {  	[hbm4b:s16+s3] =	stream.linear.scatter [tilespmem:s8], [sflag:$0x2], $0x4000, $0x38;
	[tilespmem:$0x8400] =	vst v63  }
0x2c: {  	_ =	swait.ge [sflag:s6], $0x4000  }
0x2d: {  	[sflag:s6] =	ssyncset.done $0x0  }
0x2e: {  	s17 =	simm.s32 $0x280;
	[sflag:s6] =	ssyncadd.s32 $0xFFFFC000  }
0x2f: {  	[tilespmem:s8], [sflag:$0x1] =	stream.indirect.gather [hbm4b:s2+s5], $0x80, s17, s5, $0xb8;
	[tilespmem:$0x8400] =	vst v63  }
0x30: {  	_ =	swait.ge [sflag:s9], $0x4000  }
0x31: {  	[sflag:s9] =	ssyncset.done $0x0  }
0x32: {  	s18 =	sadd.s32 $0x3A00, s24;
	[sflag:s9] =	ssyncadd.s32 $0xFFFFC000  }
0x33: {  	[hbm4b:s18+s3] =	stream.linear.scatter [tilespmem:s7], [sflag:$0x2], $0x4000, $0x38;
	[tilespmem:$0x8400] =	vst v63  }
0x34: {  	_ =	swait.ge [sflag:s6], $0x4000  }
0x35: {  	[sflag:s6] =	ssyncset.done $0x0  }
0x36: {  	s19 =	simm.s32 $0x300;
	[sflag:s6] =	ssyncadd.s32 $0xFFFFC000  }
0x37: {  	[tilespmem:s7], [sflag:$0x1] =	stream.indirect.gather [hbm4b:s2+s5], $0x80, s19, s5, $0xb8;
	[tilespmem:$0x8400] =	vst v63  }
0x38: {  	_ =	swait.ge [sflag:s9], $0x4000  }
0x39: {  	[sflag:s9] =	ssyncset.done $0x0  }
0x3a: {  	s20 =	sadd.s32 $0x4200, s24;
	[sflag:s9] =	ssyncadd.s32 $0xFFFFC000  }
0x3b: {  	[hbm4b:s20+s3] =	stream.linear.scatter [tilespmem:s8], [sflag:$0x2], $0x4000, $0x38;
	[tilespmem:$0x8400] =	vst v63  }
0x3c: {  	_ =	swait.ge [sflag:s6], $0x4000  }
0x3d: {  	[sflag:s6] =	ssyncset.done $0x0  }
0x3e: {  	s21 =	simm.s32 $0x380;
	[sflag:s6] =	ssyncadd.s32 $0xFFFFC000  }
0x3f: {  	[tilespmem:s8], [sflag:$0x1] =	stream.indirect.gather [hbm4b:s2+s5], $0x80, s21, s5, $0xb8;
	[tilespmem:$0x8400] =	vst v63  }
0x40: {  	_ =	swait.ge [sflag:s9], $0x4000  }
0x41: {  	[sflag:s9] =	ssyncset.done $0x0  }
0x42: {  	s23 =	ssub.s32 $0x2, s23;
	s22 =	sadd.s32 $0x4A00, s24;
	[sflag:s9] =	ssyncadd.s32 $0xFFFFC000  }
0x43: {  	[hbm4b:s22+s3] =	stream.linear.scatter [tilespmem:s7], [sflag:$0x2], $0x4000, $0x38;
	[tilespmem:$0x8400] =	vst v63  }
0x44: {  	s25 =	sshrl.u32 s23, $0x1;
	_ =	swait.ge [sflag:s6], $0x4000  }
0x45: {  	s25 =	ssub.s32 s23, s25;
	[sflag:s6] =	ssyncset.done $0x0  }
0x46: {  	s31 =	smax.u32 s25, $0x1;
	[sflag:s6] =	ssyncadd.s32 $0xFFFFC000  }
0x47: {  	p0 =	sne.s32 s31, $0x1;
	_ =	swait.ge [sflag:s9], $0x4000  }
.Ltmp0:
0x48: {  	[sflag:s9] =	ssyncset.done $0x0;
	(pc) =	sbr.rel @!p0 .LBB2_2-.Ltmp0, $4  }
0x49: {  	s23 =	sadd.s32 $0x5200, s24;
	[sflag:s9] =	ssyncadd.s32 $0xFFFFC000  }
0x4a: {  	[hbm4b:s23+s3] =	stream.linear.scatter [tilespmem:s8], [sflag:$0x2], $0x4000, $0x38;
	[tilespmem:$0x8400] =	vst v63  }
0x4b: {  	_ =	swait.ge [sflag:s6], $0x4000  }
0x4c: {  	s24 =	sadd.s32 $0xFFFFFFFF, s31;
	[sflag:s6] =	ssyncset.done $0x0  }
.LBB2_1:
0x4d: {  	p0 =	sne.s32 s24, $0x1;
	s24 =	sadd.s32 $0xFFFFFFFF, s24;
	[sflag:s6] =	ssyncadd.s32 $0xFFFFC000  }
0x4e: {  	[tilespmem:s3], [sflag:$0x2] =	stream.strided.gather [hbm4b:s4+s5], $0x400, s7, s5, $0x38;
	[tilespmem:$0x8400] =	vst v63  }
0x4f: {  	_ =	swait.ge [sflag:s6], $0x400  }
0x50: {  	[sflag:s6] =	ssyncset.done $0x0  }
0x51: {  	[sflag:s6] =	ssyncadd.s32 $0xFFFFFC00  }
0x52: {  	[tilespmem:s7], [sflag:$0x1] =	stream.indirect.gather [hbm4b:s2+s5], $0x80, s3, s5, $0xb8;
	[tilespmem:$0x8400] =	vst v63  }
0x53: {  	_ = 	snop  }
0x54: {  	[tilespmem:s8], [sflag:$0x1] =	stream.indirect.gather [hbm4b:s2+s5], $0x80, s5, s5, $0xb8;
	[tilespmem:$0x8400] =	vst v63  }
0x55: {  	_ =	swait.ge [sflag:s9], $0x4000  }
0x56: {  	[sflag:s9] =	ssyncset.done $0x0  }
0x57: {  	[sflag:s9] =	ssyncadd.s32 $0xFFFFC000  }
0x58: {  	[hbm4b:s10+s3] =	stream.linear.scatter [tilespmem:s7], [sflag:$0x2], $0x4000, $0x38;
	[tilespmem:$0x8400] =	vst v63  }
0x59: {  	_ =	swait.ge [sflag:s6], $0x4000  }
0x5a: {  	[sflag:s6] =	ssyncset.done $0x0  }
0x5b: {  	[sflag:s6] =	ssyncadd.s32 $0xFFFFC000  }
0x5c: {  	[tilespmem:s7], [sflag:$0x1] =	stream.indirect.gather [hbm4b:s2+s5], $0x80, s11, s5, $0xb8;
	[tilespmem:$0x8400] =	vst v63  }
0x5d: {  	_ =	swait.ge [sflag:s9], $0x4000  }
0x5e: {  	[sflag:s9] =	ssyncset.done $0x0  }
0x5f: {  	[sflag:s9] =	ssyncadd.s32 $0xFFFFC000  }
0x60: {  	[hbm4b:s12+s3] =	stream.linear.scatter [tilespmem:s8], [sflag:$0x2], $0x4000, $0x38;
	[tilespmem:$0x8400] =	vst v63  }
0x61: {  	_ =	swait.ge [sflag:s6], $0x4000  }
0x62: {  	[sflag:s6] =	ssyncset.done $0x0  }
0x63: {  	[sflag:s6] =	ssyncadd.s32 $0xFFFFC000  }
0x64: {  	[tilespmem:s8], [sflag:$0x1] =	stream.indirect.gather [hbm4b:s2+s5], $0x80, s13, s5, $0xb8;
	[tilespmem:$0x8400] =	vst v63  }
0x65: {  	_ =	swait.ge [sflag:s9], $0x4000  }
0x66: {  	[sflag:s9] =	ssyncset.done $0x0  }
0x67: {  	[sflag:s9] =	ssyncadd.s32 $0xFFFFC000  }
0x68: {  	[hbm4b:s14+s3] =	stream.linear.scatter [tilespmem:s7], [sflag:$0x2], $0x4000, $0x38;
	[tilespmem:$0x8400] =	vst v63  }
0x69: {  	_ =	swait.ge [sflag:s6], $0x4000  }
0x6a: {  	[sflag:s6] =	ssyncset.done $0x0  }
0x6b: {  	[sflag:s6] =	ssyncadd.s32 $0xFFFFC000  }
0x6c: {  	[tilespmem:s7], [sflag:$0x1] =	stream.indirect.gather [hbm4b:s2+s5], $0x80, s15, s5, $0xb8;
	[tilespmem:$0x8400] =	vst v63  }
0x6d: {  	_ =	swait.ge [sflag:s9], $0x4000  }
0x6e: {  	[sflag:s9] =	ssyncset.done $0x0  }
0x6f: {  	[sflag:s9] =	ssyncadd.s32 $0xFFFFC000  }
0x70: {  	[hbm4b:s16+s3] =	stream.linear.scatter [tilespmem:s8], [sflag:$0x2], $0x4000, $0x38;
	[tilespmem:$0x8400] =	vst v63  }
0x71: {  	_ =	swait.ge [sflag:s6], $0x4000  }
0x72: {  	[sflag:s6] =	ssyncset.done $0x0  }
0x73: {  	[sflag:s6] =	ssyncadd.s32 $0xFFFFC000  }
0x74: {  	[tilespmem:s8], [sflag:$0x1] =	stream.indirect.gather [hbm4b:s2+s5], $0x80, s17, s5, $0xb8;
	[tilespmem:$0x8400] =	vst v63  }
0x75: {  	_ =	swait.ge [sflag:s9], $0x4000  }
0x76: {  	[sflag:s9] =	ssyncset.done $0x0  }
0x77: {  	[sflag:s9] =	ssyncadd.s32 $0xFFFFC000  }
0x78: {  	[hbm4b:s18+s3] =	stream.linear.scatter [tilespmem:s7], [sflag:$0x2], $0x4000, $0x38;
	[tilespmem:$0x8400] =	vst v63  }
0x79: {  	_ =	swait.ge [sflag:s6], $0x4000  }
0x7a: {  	[sflag:s6] =	ssyncset.done $0x0  }
0x7b: {  	[sflag:s6] =	ssyncadd.s32 $0xFFFFC000  }
0x7c: {  	[tilespmem:s7], [sflag:$0x1] =	stream.indirect.gather [hbm4b:s2+s5], $0x80, s19, s5, $0xb8;
	[tilespmem:$0x8400] =	vst v63  }
0x7d: {  	_ =	swait.ge [sflag:s9], $0x4000  }
0x7e: {  	[sflag:s9] =	ssyncset.done $0x0  }
0x7f: {  	[sflag:s9] =	ssyncadd.s32 $0xFFFFC000  }
0x80: {  	[hbm4b:s20+s3] =	stream.linear.scatter [tilespmem:s8], [sflag:$0x2], $0x4000, $0x38;
	[tilespmem:$0x8400] =	vst v63  }
0x81: {  	_ =	swait.ge [sflag:s6], $0x4000  }
0x82: {  	[sflag:s6] =	ssyncset.done $0x0  }
0x83: {  	[sflag:s6] =	ssyncadd.s32 $0xFFFFC000  }
0x84: {  	[tilespmem:s8], [sflag:$0x1] =	stream.indirect.gather [hbm4b:s2+s5], $0x80, s21, s5, $0xb8;
	[tilespmem:$0x8400] =	vst v63  }
0x85: {  	_ =	swait.ge [sflag:s9], $0x4000  }
0x86: {  	[sflag:s9] =	ssyncset.done $0x0  }
0x87: {  	[sflag:s9] =	ssyncadd.s32 $0xFFFFC000  }
0x88: {  	[hbm4b:s22+s3] =	stream.linear.scatter [tilespmem:s7], [sflag:$0x2], $0x4000, $0x38;
	[tilespmem:$0x8400] =	vst v63  }
0x89: {  	_ =	swait.ge [sflag:s6], $0x4000  }
0x8a: {  	[sflag:s6] =	ssyncset.done $0x0  }
0x8b: {  	[sflag:s6] =	ssyncadd.s32 $0xFFFFC000  }
0x8c: {  	_ =	swait.ge [sflag:s9], $0x4000  }
.Ltmp1:
0x8d: {  	[sflag:s9] =	ssyncset.done $0x0;
	(pc) =	sbr.rel @p0 .LBB2_1-.Ltmp1, $4  }
0x8e: {  	[sflag:s9] =	ssyncadd.s32 $0xFFFFC000  }
0x8f: {  	[hbm4b:s23+s3] =	stream.linear.scatter [tilespmem:s8], [sflag:$0x2], $0x4000, $0x38;
	[tilespmem:$0x8400] =	vst v63  }
0x90: {  	_ =	swait.ge [sflag:s6], $0x4000  }
0x91: {  	[sflag:s6] =	ssyncset.done $0x0  }
.LBB2_2:
0x92: {  	[sflag:s6] =	ssyncadd.s32 $0xFFFFC000  }
0x93: {  	_ =	sfence.sel $0x180000  }
0x94: {  	[bflag:$0x0] =	sbarrier.arrive $0xFFFF  }
0x95: {  	p0 =	sne.s32 s0, $0x0;
	_ =	strace $0x90000047  }
0x96: {  	s0 =	sadd.s32 @!p0 $0x100000, s1;
	[bflag:$0x2] =	sbarrier.arrive $0xFFFF  }
0x97: {  	[sflag:s0] =	ssyncadd.tile.s32 @!p0 $0x1;
	_ =	shalt  }
.Lfunc_end2:
_tile_overlayer_lowered:
.L_overlay_start_2:
0x98: {  	(tag) =	ssettag $0x2  }
0x99: {  	s0 =	rddreg [dreg:$0x0];
	s2 =	stileid.u32  }
0x9a: {  	s1 =	rddreg [dreg:$0x1];
	p0 =	sne.s32 s2, $0x0  }
0x9b: {  	s3 =	rddreg [dreg:$0x2];
	[bflag:$0x3] =	sbarrier.arrive $0xFFFF;
	s2 =	simm.s32 @!p0 $0x1C02  }
0x9c: {  	[timem:s3], [sflag:s2] =	dma.local @!p0 [hbm:s0], s1  }
0x9d: {  	s0 =	simm.s32 @!p0 $0x2  }
0x9e: {  	_ =	swait.ge @!p0 [sflag:s0], s1  }
0x9f: {  	s1 =	ssub.s32 @!p0 $0x0, s1;
	[sflag:s0] =	ssyncset.done @!p0 $0x0  }
0xa0: {  	[sflag:s0] =	ssyncadd.s32 @!p0 s1  }
0xa1: {  	[bflag:$0x3] =	sbarrier.arrive $0xFFFF  }
0xa2: {  	_ =	shalt  }

</sc_bundles>
